<compile_context>
chip_gen: v7x
topology: tpu7x:2x2x1
jax: 0.10.2.dev20260603
libtpu: 0.0.44.dev20260713+nightly
codegen_flags: <defaults>
</compile_context>

<pallas_src>
import functools

import jax
import jax.numpy as jnp
from jax import lax
from jax.experimental import pallas as pl
from jax.experimental.pallas import tpu as pltpu
from jax.experimental.pallas import tpu_sc as plsc

DEPTH = 1000
B0, B1 = 1024, 26
NC, NS = 2, 16
NW = NC * NS
COLS = 128
NCHUNK = B1 * (B0 // COLS)
NT = -(-NCHUNK // NW)


def _one_hot_sc(xt_flat, zero_chunk):
    mesh = plsc.VectorSubcoreMesh(core_axis_name="c", subcore_axis_name="s")

    @functools.partial(
        pl.kernel,
        mesh=mesh,
        out_type=jax.ShapeDtypeStruct((B1, DEPTH, B0), jnp.int32),
        compiler_params=pltpu.CompilerParams(needs_layout_passes=False),
        scratch_types=[
            pltpu.VMEM((NT * COLS,), jnp.int32),
            pltpu.VMEM((DEPTH, COLS), jnp.int32),
            pltpu.SemaphoreType.DMA,
            pltpu.SemaphoreType.DMA,
        ],
    )
    def k(xt_hbm, z_hbm, out_hbm, xv, buf, sem, sem_x):
        wid = lax.axis_index("s") * NC + lax.axis_index("c")
        g_last = (NT - 1) * NW + (wid & (NW // 2 - 1))

        def chunk_id(t):
            return g_last if t == NT - 1 else t * NW + wid

        for t in range(NT):
            pltpu.async_copy(xt_hbm.at[pl.ds(chunk_id(t) * COLS, COLS)],
                             xv.at[pl.ds(t * COLS, COLS)], sem_x)

        pltpu.async_copy(z_hbm, buf, sem)

        for t in range(NT):
            pltpu.make_async_copy(xt_hbm.at[pl.ds(0, COLS)],
                                  xv.at[pl.ds(0, COLS)], sem_x).wait()

        lane = lax.iota(jnp.int32, 16)
        ones = jnp.full((16,), 1, jnp.int32)
        zeros = jnp.zeros((16,), jnp.int32)
        upper = wid >= NW // 2

        def scatter_chunk(t, vals, mask=None):
            for s in range(COLS // 16):
                rows = xv[pl.ds(t * COLS + s * 16, 16)]
                m = None if mask is None else mask(rows)
                plsc.store_scatter(buf, [rows, lane + s * 16], vals, mask=m)

        for t in range(NT):
            g = chunk_id(t)
            j = g // (B0 // COLS)
            c = g % (B0 // COLS)

            pltpu.make_async_copy(
                buf, out_hbm.at[0, :, pl.ds(0, COLS)], sem).wait()
            if t > 0:
                scatter_chunk(t - 1, zeros)
            if t < NT - 1:
                scatter_chunk(t, ones)
                pltpu.async_copy(
                    buf, out_hbm.at[j, :, pl.ds(c * COLS, COLS)], sem)
            else:
                for r0, nr, cond in ((0, 496, ~upper), (496, 504, upper)):
                    @pl.when(cond)
                    def _(r0=r0, nr=nr):
                        scatter_chunk(
                            t, ones,
                            mask=lambda rows: ((rows >= r0) & (rows < r0 + nr)))
                        pltpu.async_copy(
                            buf.at[pl.ds(r0, nr)],
                            out_hbm.at[j, pl.ds(r0, nr),
                                       pl.ds(c * COLS, COLS)],
                            sem)

        for r0, nr, cond in ((0, 496, ~upper), (496, 504, upper)):
            @pl.when(cond)
            def _(r0=r0, nr=nr):
                pltpu.make_async_copy(
                    buf.at[pl.ds(r0, nr)],
                    out_hbm.at[0, pl.ds(r0, nr), pl.ds(0, COLS)], sem).wait()

    return k(xt_flat, zero_chunk)


def kernel(x):
    xt_flat = x.T.reshape(-1)
    zero_chunk = jnp.zeros((DEPTH, COLS), jnp.int32)
    out_t = _one_hot_sc(xt_flat, zero_chunk)
    return jnp.transpose(out_t, (2, 0, 1))

# --- scband reference (transcript-rebuilt; emitter-appended) ---
"""Pipeline reference for scband-one-hot-layer-60507499266350 (READ-ONLY COPY).

The authoritative reference and input builder live on the scoring server;
editing this copy changes nothing except your own understanding.
"""

import jax, jax.numpy as jnp
import numpy as np

N = 1000  # one-hot depth (init kwarg n)


def setup_inputs(seed: int = 0) -> dict:
    key = jax.random.key(seed)
    x = jax.random.randint(key, (1024, 26), 0, N, dtype=jnp.int32)
    return {"x": x}


def reference(x):
    # torch: F.one_hot(x, n) -> int64 tensor of shape x.shape + (n,)
    # jax translation: jax.nn.one_hot with integer dtype (jax default x64 is off,
    # so int32 is the faithful integer counterpart).
    return jax.nn.one_hot(x, N, dtype=jnp.int32)

if __name__ == "__main__":
    import jax
    _d = setup_inputs()
    print(jax.jit(kernel)(*tuple(_d.values())))

</pallas_src>

<mosaic_0001>
#map = affine_map<(d0, d1) -> (0)>
#map1 = affine_map<(d0, d1) -> (0, 0)>
#map2 = affine_map<(d0, d1) -> (0, 0, 0)>
module attributes {stable_mosaic.version = 14 : i64} {
  func.func @k(%arg0: i32, %arg1: i32, %arg2: memref<26624xi32, #tpu.memory_space<hbm>>, %arg3: memref<1000x128xi32, #tpu.memory_space<hbm>>, %arg4: memref<26x1000x1024xi32, #tpu.memory_space<hbm>>, %arg5: memref<896xi32, #tpu.memory_space<vmem>>, %arg6: memref<1000x128xi32, #tpu.memory_space<vmem>>, %arg7: memref<!tpu.dma_semaphore, #tpu.memory_space<semaphore_mem>>, %arg8: memref<!tpu.dma_semaphore, #tpu.memory_space<semaphore_mem>>) attributes {dimension_semantics = [#tpu.dimension_semantics<core_parallel>, #tpu.dimension_semantics<subcore_parallel>], iteration_bounds = array<i64: 2, 16>, scalar_prefetch = 0 : i64, scratch_operands = 4 : i64, tpu.core_type = #tpu.core_type<sc_vector_subcore>, window_params = [{transform_indices = #map}, {transform_indices = #map1}, {transform_indices = #map2}]} {
    %mul3A = arith.constant 2 : i32
    %mul3A_0 = arith.muli %arg1, %mul3A : i32
    %add3A = arith.addi %mul3A_0, %arg0 : i32
    %and3A = arith.constant 15 : i32
    %and3A_1 = arith.andi %add3A, %and3A : i32
    %add3A_2 = arith.constant 192 : i32
    %add3A_3 = arith.addi %add3A_2, %and3A_1 : i32
    %add3A_4 = arith.constant 0 : i32
    %add3A_5 = arith.addi %add3A_4, %add3A : i32
    %mul3A_6 = arith.constant 128 : i32
    %mul3A_7 = arith.muli %add3A_5, %mul3A_6 : i32
    %dma_start3A = arith.constant 0 : i32
    %dma_start3A_8 = tpu.memref_slice %arg5[%dma_start3A] : memref<896xi32, #tpu.memory_space<vmem>> -> memref<128xi32, #tpu.memory_space<vmem>>
    %dma_start3A_9 = tpu.memref_slice %arg2[%mul3A_7] : memref<26624xi32, #tpu.memory_space<hbm>> -> memref<128xi32, #tpu.memory_space<hbm>>
    %dma_start3A_10 = arith.constant 0 : i32
    %dma_start3A_11 = tpu.memref_slice %arg5[%dma_start3A_10] : memref<896xi32, #tpu.memory_space<vmem>> -> memref<128xi32, #tpu.memory_space<vmem>>
    %dma_start3A_12 = tpu.memref_slice %arg2[%mul3A_7] : memref<26624xi32, #tpu.memory_space<hbm>> -> memref<128xi32, #tpu.memory_space<hbm>>
    tpu.enqueue_dma source(%dma_start3A_12 : memref<128xi32, #tpu.memory_space<hbm>>) target(%dma_start3A_11 : memref<128xi32, #tpu.memory_space<vmem>>) target_semaphore(%arg8 : memref<!tpu.dma_semaphore, #tpu.memory_space<semaphore_mem>>)
    %add3A_13 = arith.constant 32 : i32
    %add3A_14 = arith.addi %add3A_13, %add3A : i32
    %mul3A_15 = arith.constant 128 : i32
    %mul3A_16 = arith.muli %add3A_14, %mul3A_15 : i32
    %dma_start3A_17 = arith.constant 128 : i32
    %dma_start3A_18 = tpu.memref_slice %arg5[%dma_start3A_17] : memref<896xi32, #tpu.memory_space<vmem>> -> memref<128xi32, #tpu.memory_space<vmem>>
    %dma_start3A_19 = tpu.memref_slice %arg2[%mul3A_16] : memref<26624xi32, #tpu.memory_space<hbm>> -> memref<128xi32, #tpu.memory_space<hbm>>
    %dma_start3A_20 = arith.constant 128 : i32
    %dma_start3A_21 = tpu.memref_slice %arg5[%dma_start3A_20] : memref<896xi32, #tpu.memory_space<vmem>> -> memref<128xi32, #tpu.memory_space<vmem>>
    %dma_start3A_22 = tpu.memref_slice %arg2[%mul3A_16] : memref<26624xi32, #tpu.memory_space<hbm>> -> memref<128xi32, #tpu.memory_space<hbm>>
    tpu.enqueue_dma source(%dma_start3A_22 : memref<128xi32, #tpu.memory_space<hbm>>) target(%dma_start3A_21 : memref<128xi32, #tpu.memory_space<vmem>>) target_semaphore(%arg8 : memref<!tpu.dma_semaphore, #tpu.memory_space<semaphore_mem>>)
    %add3A_23 = arith.constant 64 : i32
    %add3A_24 = arith.addi %add3A_23, %add3A : i32
    %mul3A_25 = arith.constant 128 : i32
    %mul3A_26 = arith.muli %add3A_24, %mul3A_25 : i32
    %dma_start3A_27 = arith.constant 256 : i32
    %dma_start3A_28 = tpu.memref_slice %arg5[%dma_start3A_27] : memref<896xi32, #tpu.memory_space<vmem>> -> memref<128xi32, #tpu.memory_space<vmem>>
    %dma_start3A_29 = tpu.memref_slice %arg2[%mul3A_26] : memref<26624xi32, #tpu.memory_space<hbm>> -> memref<128xi32, #tpu.memory_space<hbm>>
    %dma_start3A_30 = arith.constant 256 : i32
    %dma_start3A_31 = tpu.memref_slice %arg5[%dma_start3A_30] : memref<896xi32, #tpu.memory_space<vmem>> -> memref<128xi32, #tpu.memory_space<vmem>>
    %dma_start3A_32 = tpu.memref_slice %arg2[%mul3A_26] : memref<26624xi32, #tpu.memory_space<hbm>> -> memref<128xi32, #tpu.memory_space<hbm>>
    tpu.enqueue_dma source(%dma_start3A_32 : memref<128xi32, #tpu.memory_space<hbm>>) target(%dma_start3A_31 : memref<128xi32, #tpu.memory_space<vmem>>) target_semaphore(%arg8 : memref<!tpu.dma_semaphore, #tpu.memory_space<semaphore_mem>>)
    %add3A_33 = arith.constant 96 : i32
    %add3A_34 = arith.addi %add3A_33, %add3A : i32
    %mul3A_35 = arith.constant 128 : i32
    %mul3A_36 = arith.muli %add3A_34, %mul3A_35 : i32
    %dma_start3A_37 = arith.constant 384 : i32
    %dma_start3A_38 = tpu.memref_slice %arg5[%dma_start3A_37] : memref<896xi32, #tpu.memory_space<vmem>> -> memref<128xi32, #tpu.memory_space<vmem>>
    %dma_start3A_39 = tpu.memref_slice %arg2[%mul3A_36] : memref<26624xi32, #tpu.memory_space<hbm>> -> memref<128xi32, #tpu.memory_space<hbm>>
    %dma_start3A_40 = arith.constant 384 : i32
    %dma_start3A_41 = tpu.memref_slice %arg5[%dma_start3A_40] : memref<896xi32, #tpu.memory_space<vmem>> -> memref<128xi32, #tpu.memory_space<vmem>>
    %dma_start3A_42 = tpu.memref_slice %arg2[%mul3A_36] : memref<26624xi32, #tpu.memory_space<hbm>> -> memref<128xi32, #tpu.memory_space<hbm>>
    tpu.enqueue_dma source(%dma_start3A_42 : memref<128xi32, #tpu.memory_space<hbm>>) target(%dma_start3A_41 : memref<128xi32, #tpu.memory_space<vmem>>) target_semaphore(%arg8 : memref<!tpu.dma_semaphore, #tpu.memory_space<semaphore_mem>>)
    %add3A_43 = arith.constant 128 : i32
    %add3A_44 = arith.addi %add3A_43, %add3A : i32
    %mul3A_45 = arith.constant 128 : i32
    %mul3A_46 = arith.muli %add3A_44, %mul3A_45 : i32
    %dma_start3A_47 = arith.constant 512 : i32
    %dma_start3A_48 = tpu.memref_slice %arg5[%dma_start3A_47] : memref<896xi32, #tpu.memory_space<vmem>> -> memref<128xi32, #tpu.memory_space<vmem>>
    %dma_start3A_49 = tpu.memref_slice %arg2[%mul3A_46] : memref<26624xi32, #tpu.memory_space<hbm>> -> memref<128xi32, #tpu.memory_space<hbm>>
    %dma_start3A_50 = arith.constant 512 : i32
    %dma_start3A_51 = tpu.memref_slice %arg5[%dma_start3A_50] : memref<896xi32, #tpu.memory_space<vmem>> -> memref<128xi32, #tpu.memory_space<vmem>>
    %dma_start3A_52 = tpu.memref_slice %arg2[%mul3A_46] : memref<26624xi32, #tpu.memory_space<hbm>> -> memref<128xi32, #tpu.memory_space<hbm>>
    tpu.enqueue_dma source(%dma_start3A_52 : memref<128xi32, #tpu.memory_space<hbm>>) target(%dma_start3A_51 : memref<128xi32, #tpu.memory_space<vmem>>) target_semaphore(%arg8 : memref<!tpu.dma_semaphore, #tpu.memory_space<semaphore_mem>>)
    %add3A_53 = arith.constant 160 : i32
    %add3A_54 = arith.addi %add3A_53, %add3A : i32
    %mul3A_55 = arith.constant 128 : i32
    %mul3A_56 = arith.muli %add3A_54, %mul3A_55 : i32
    %dma_start3A_57 = arith.constant 640 : i32
    %dma_start3A_58 = tpu.memref_slice %arg5[%dma_start3A_57] : memref<896xi32, #tpu.memory_space<vmem>> -> memref<128xi32, #tpu.memory_space<vmem>>
    %dma_start3A_59 = tpu.memref_slice %arg2[%mul3A_56] : memref<26624xi32, #tpu.memory_space<hbm>> -> memref<128xi32, #tpu.memory_space<hbm>>
    %dma_start3A_60 = arith.constant 640 : i32
    %dma_start3A_61 = tpu.memref_slice %arg5[%dma_start3A_60] : memref<896xi32, #tpu.memory_space<vmem>> -> memref<128xi32, #tpu.memory_space<vmem>>
    %dma_start3A_62 = tpu.memref_slice %arg2[%mul3A_56] : memref<26624xi32, #tpu.memory_space<hbm>> -> memref<128xi32, #tpu.memory_space<hbm>>
    tpu.enqueue_dma source(%dma_start3A_62 : memref<128xi32, #tpu.memory_space<hbm>>) target(%dma_start3A_61 : memref<128xi32, #tpu.memory_space<vmem>>) target_semaphore(%arg8 : memref<!tpu.dma_semaphore, #tpu.memory_space<semaphore_mem>>)
    %mul3A_63 = arith.constant 128 : i32
    %mul3A_64 = arith.muli %add3A_3, %mul3A_63 : i32
    %dma_start3A_65 = arith.constant 768 : i32
    %dma_start3A_66 = tpu.memref_slice %arg5[%dma_start3A_65] : memref<896xi32, #tpu.memory_space<vmem>> -> memref<128xi32, #tpu.memory_space<vmem>>
    %dma_start3A_67 = tpu.memref_slice %arg2[%mul3A_64] : memref<26624xi32, #tpu.memory_space<hbm>> -> memref<128xi32, #tpu.memory_space<hbm>>
    %dma_start3A_68 = arith.constant 768 : i32
    %dma_start3A_69 = tpu.memref_slice %arg5[%dma_start3A_68] : memref<896xi32, #tpu.memory_space<vmem>> -> memref<128xi32, #tpu.memory_space<vmem>>
    %dma_start3A_70 = tpu.memref_slice %arg2[%mul3A_64] : memref<26624xi32, #tpu.memory_space<hbm>> -> memref<128xi32, #tpu.memory_space<hbm>>
    tpu.enqueue_dma source(%dma_start3A_70 : memref<128xi32, #tpu.memory_space<hbm>>) target(%dma_start3A_69 : memref<128xi32, #tpu.memory_space<vmem>>) target_semaphore(%arg8 : memref<!tpu.dma_semaphore, #tpu.memory_space<semaphore_mem>>)
    tpu.enqueue_dma source(%arg3 : memref<1000x128xi32, #tpu.memory_space<hbm>>) target(%arg6 : memref<1000x128xi32, #tpu.memory_space<vmem>>) target_semaphore(%arg7 : memref<!tpu.dma_semaphore, #tpu.memory_space<semaphore_mem>>)
    %dma_wait3A = arith.constant 0 : i32
    %dma_wait3A_71 = tpu.memref_slice %arg5[%dma_wait3A] : memref<896xi32, #tpu.memory_space<vmem>> -> memref<128xi32, #tpu.memory_space<vmem>>
    %dma_wait3A_72 = arith.constant 0 : i32
    %dma_wait3A_73 = tpu.memref_slice %arg2[%dma_wait3A_72] : memref<26624xi32, #tpu.memory_space<hbm>> -> memref<128xi32, #tpu.memory_space<hbm>>
    %dma_wait3A_74 = arith.constant 0 : i32
    %dma_wait3A_75 = tpu.memref_slice %arg5[%dma_wait3A_74] : memref<896xi32, #tpu.memory_space<vmem>> -> memref<128xi32, #tpu.memory_space<vmem>>
    %dma_wait3A_76 = arith.constant 0 : i32
    %dma_wait3A_77 = tpu.memref_slice %arg2[%dma_wait3A_76] : memref<26624xi32, #tpu.memory_space<hbm>> -> memref<128xi32, #tpu.memory_space<hbm>>
    tpu.wait_dma2 semaphore(%arg8 : memref<!tpu.dma_semaphore, #tpu.memory_space<semaphore_mem>>) src(%dma_wait3A_77 : memref<128xi32, #tpu.memory_space<hbm>>) dst(%dma_wait3A_75 : memref<128xi32, #tpu.memory_space<vmem>>)
    %dma_wait3A_78 = arith.constant 0 : i32
    %dma_wait3A_79 = tpu.memref_slice %arg5[%dma_wait3A_78] : memref<896xi32, #tpu.memory_space<vmem>> -> memref<128xi32, #tpu.memory_space<vmem>>
    %dma_wait3A_80 = arith.constant 0 : i32
    %dma_wait3A_81 = tpu.memref_slice %arg2[%dma_wait3A_80] : memref<26624xi32, #tpu.memory_space<hbm>> -> memref<128xi32, #tpu.memory_space<hbm>>
    %dma_wait3A_82 = arith.constant 0 : i32
    %dma_wait3A_83 = tpu.memref_slice %arg5[%dma_wait3A_82] : memref<896xi32, #tpu.memory_space<vmem>> -> memref<128xi32, #tpu.memory_space<vmem>>
    %dma_wait3A_84 = arith.constant 0 : i32
    %dma_wait3A_85 = tpu.memref_slice %arg2[%dma_wait3A_84] : memref<26624xi32, #tpu.memory_space<hbm>> -> memref<128xi32, #tpu.memory_space<hbm>>
    tpu.wait_dma2 semaphore(%arg8 : memref<!tpu.dma_semaphore, #tpu.memory_space<semaphore_mem>>) src(%dma_wait3A_85 : memref<128xi32, #tpu.memory_space<hbm>>) dst(%dma_wait3A_83 : memref<128xi32, #tpu.memory_space<vmem>>)
    %dma_wait3A_86 = arith.constant 0 : i32
    %dma_wait3A_87 = tpu.memref_slice %arg5[%dma_wait3A_86] : memref<896xi32, #tpu.memory_space<vmem>> -> memref<128xi32, #tpu.memory_space<vmem>>
    %dma_wait3A_88 = arith.constant 0 : i32
    %dma_wait3A_89 = tpu.memref_slice %arg2[%dma_wait3A_88] : memref<26624xi32, #tpu.memory_space<hbm>> -> memref<128xi32, #tpu.memory_space<hbm>>
    %dma_wait3A_90 = arith.constant 0 : i32
    %dma_wait3A_91 = tpu.memref_slice %arg5[%dma_wait3A_90] : memref<896xi32, #tpu.memory_space<vmem>> -> memref<128xi32, #tpu.memory_space<vmem>>
    %dma_wait3A_92 = arith.constant 0 : i32
    %dma_wait3A_93 = tpu.memref_slice %arg2[%dma_wait3A_92] : memref<26624xi32, #tpu.memory_space<hbm>> -> memref<128xi32, #tpu.memory_space<hbm>>
    tpu.wait_dma2 semaphore(%arg8 : memref<!tpu.dma_semaphore, #tpu.memory_space<semaphore_mem>>) src(%dma_wait3A_93 : memref<128xi32, #tpu.memory_space<hbm>>) dst(%dma_wait3A_91 : memref<128xi32, #tpu.memory_space<vmem>>)
    %dma_wait3A_94 = arith.constant 0 : i32
    %dma_wait3A_95 = tpu.memref_slice %arg5[%dma_wait3A_94] : memref<896xi32, #tpu.memory_space<vmem>> -> memref<128xi32, #tpu.memory_space<vmem>>
    %dma_wait3A_96 = arith.constant 0 : i32
    %dma_wait3A_97 = tpu.memref_slice %arg2[%dma_wait3A_96] : memref<26624xi32, #tpu.memory_space<hbm>> -> memref<128xi32, #tpu.memory_space<hbm>>
    %dma_wait3A_98 = arith.constant 0 : i32
    %dma_wait3A_99 = tpu.memref_slice %arg5[%dma_wait3A_98] : memref<896xi32, #tpu.memory_space<vmem>> -> memref<128xi32, #tpu.memory_space<vmem>>
    %dma_wait3A_100 = arith.constant 0 : i32
    %dma_wait3A_101 = tpu.memref_slice %arg2[%dma_wait3A_100] : memref<26624xi32, #tpu.memory_space<hbm>> -> memref<128xi32, #tpu.memory_space<hbm>>
    tpu.wait_dma2 semaphore(%arg8 : memref<!tpu.dma_semaphore, #tpu.memory_space<semaphore_mem>>) src(%dma_wait3A_101 : memref<128xi32, #tpu.memory_space<hbm>>) dst(%dma_wait3A_99 : memref<128xi32, #tpu.memory_space<vmem>>)
    %dma_wait3A_102 = arith.constant 0 : i32
    %dma_wait3A_103 = tpu.memref_slice %arg5[%dma_wait3A_102] : memref<896xi32, #tpu.memory_space<vmem>> -> memref<128xi32, #tpu.memory_space<vmem>>
    %dma_wait3A_104 = arith.constant 0 : i32
    %dma_wait3A_105 = tpu.memref_slice %arg2[%dma_wait3A_104] : memref<26624xi32, #tpu.memory_space<hbm>> -> memref<128xi32, #tpu.memory_space<hbm>>
    %dma_wait3A_106 = arith.constant 0 : i32
    %dma_wait3A_107 = tpu.memref_slice %arg5[%dma_wait3A_106] : memref<896xi32, #tpu.memory_space<vmem>> -> memref<128xi32, #tpu.memory_space<vmem>>
    %dma_wait3A_108 = arith.constant 0 : i32
    %dma_wait3A_109 = tpu.memref_slice %arg2[%dma_wait3A_108] : memref<26624xi32, #tpu.memory_space<hbm>> -> memref<128xi32, #tpu.memory_space<hbm>>
    tpu.wait_dma2 semaphore(%arg8 : memref<!tpu.dma_semaphore, #tpu.memory_space<semaphore_mem>>) src(%dma_wait3A_109 : memref<128xi32, #tpu.memory_space<hbm>>) dst(%dma_wait3A_107 : memref<128xi32, #tpu.memory_space<vmem>>)
    %dma_wait3A_110 = arith.constant 0 : i32
    %dma_wait3A_111 = tpu.memref_slice %arg5[%dma_wait3A_110] : memref<896xi32, #tpu.memory_space<vmem>> -> memref<128xi32, #tpu.memory_space<vmem>>
    %dma_wait3A_112 = arith.constant 0 : i32
    %dma_wait3A_113 = tpu.memref_slice %arg2[%dma_wait3A_112] : memref<26624xi32, #tpu.memory_space<hbm>> -> memref<128xi32, #tpu.memory_space<hbm>>
    %dma_wait3A_114 = arith.constant 0 : i32
    %dma_wait3A_115 = tpu.memref_slice %arg5[%dma_wait3A_114] : memref<896xi32, #tpu.memory_space<vmem>> -> memref<128xi32, #tpu.memory_space<vmem>>
    %dma_wait3A_116 = arith.constant 0 : i32
    %dma_wait3A_117 = tpu.memref_slice %arg2[%dma_wait3A_116] : memref<26624xi32, #tpu.memory_space<hbm>> -> memref<128xi32, #tpu.memory_space<hbm>>
    tpu.wait_dma2 semaphore(%arg8 : memref<!tpu.dma_semaphore, #tpu.memory_space<semaphore_mem>>) src(%dma_wait3A_117 : memref<128xi32, #tpu.memory_space<hbm>>) dst(%dma_wait3A_115 : memref<128xi32, #tpu.memory_space<vmem>>)
    %dma_wait3A_118 = arith.constant 0 : i32
    %dma_wait3A_119 = tpu.memref_slice %arg5[%dma_wait3A_118] : memref<896xi32, #tpu.memory_space<vmem>> -> memref<128xi32, #tpu.memory_space<vmem>>
    %dma_wait3A_120 = arith.constant 0 : i32
    %dma_wait3A_121 = tpu.memref_slice %arg2[%dma_wait3A_120] : memref<26624xi32, #tpu.memory_space<hbm>> -> memref<128xi32, #tpu.memory_space<hbm>>
    %dma_wait3A_122 = arith.constant 0 : i32
    %dma_wait3A_123 = tpu.memref_slice %arg5[%dma_wait3A_122] : memref<896xi32, #tpu.memory_space<vmem>> -> memref<128xi32, #tpu.memory_space<vmem>>
    %dma_wait3A_124 = arith.constant 0 : i32
    %dma_wait3A_125 = tpu.memref_slice %arg2[%dma_wait3A_124] : memref<26624xi32, #tpu.memory_space<hbm>> -> memref<128xi32, #tpu.memory_space<hbm>>
    tpu.wait_dma2 semaphore(%arg8 : memref<!tpu.dma_semaphore, #tpu.memory_space<semaphore_mem>>) src(%dma_wait3A_125 : memref<128xi32, #tpu.memory_space<hbm>>) dst(%dma_wait3A_123 : memref<128xi32, #tpu.memory_space<vmem>>)
    %iota3A = tpu.iota {dimensions = array<i32: 0>} : vector<16xi32>
    %broadcast_in_dim3A = arith.constant 1 : i32
    %broadcast_in_dim3A_126 = vector.broadcast %broadcast_in_dim3A : i32 to vector<16xi32>
    %broadcast_in_dim3A_127 = arith.constant 0 : i32
    %broadcast_in_dim3A_128 = vector.broadcast %broadcast_in_dim3A_127 : i32 to vector<16xi32>
    %ge3A = arith.constant 16 : i32
    %ge3A_129 = arith.cmpi sge, %add3A, %ge3A : i32
    %add3A_130 = arith.constant 0 : i32
    %add3A_131 = arith.addi %add3A_130, %add3A : i32
    %jit3A = arith.constant 8 : i32
    %div3A = arith.divsi %add3A_131, %jit3A : i32
    %sign3A = arith.constant 0 : i32
    %sign3A_132 = arith.cmpi sgt, %add3A_131, %sign3A : i32
    %sign3A_133 = arith.extui %sign3A_132 : i1 to i32
    %sign3A_134 = arith.constant 0 : i32
    %sign3A_135 = arith.cmpi slt, %add3A_131, %sign3A_134 : i32
    %sign3A_136 = arith.extui %sign3A_135 : i1 to i32
    %sign3A_137 = arith.subi %sign3A_133, %sign3A_136 : i32
    %sign3A_138 = arith.constant 0 : i32
    %sign3A_139 = arith.cmpi sgt, %jit3A, %sign3A_138 : i32
    %sign3A_140 = arith.extui %sign3A_139 : i1 to i32
    %sign3A_141 = arith.constant 0 : i32
    %sign3A_142 = arith.cmpi slt, %jit3A, %sign3A_141 : i32
    %sign3A_143 = arith.extui %sign3A_142 : i1 to i32
    %sign3A_144 = arith.subi %sign3A_140, %sign3A_143 : i32
    %ne3A = arith.cmpi ne, %sign3A_137, %sign3A_144 : i32
    %rem3A = arith.remsi %add3A_131, %jit3A : i32
    %ne3A_145 = arith.constant 0 : i32
    %ne3A_146 = arith.cmpi ne, %rem3A, %ne3A_145 : i32
    %and3A_147 = arith.andi %ne3A, %ne3A_146 : i1
    %sub3A = arith.constant 1 : i32
    %sub3A_148 = arith.subi %div3A, %sub3A : i32
    %select_n3A = arith.select %and3A_147, %sub3A_148, %div3A : i32
    %jit3A_149 = arith.constant 8 : i32
    %eq3A = arith.constant 0 : i32
    %eq3A_150 = arith.cmpi eq, %jit3A_149, %eq3A : i32
    %jit3A_151 = arith.constant 1 : i32
    %select_n3A_152 = arith.select %eq3A_150, %jit3A_151, %jit3A_149 : i32
    %rem3A_153 = arith.remsi %add3A_131, %select_n3A_152 : i32
    %ne3A_154 = arith.constant 0 : i32
    %ne3A_155 = arith.cmpi ne, %rem3A_153, %ne3A_154 : i32
    %lt3A = arith.constant 0 : i32
    %lt3A_156 = arith.cmpi slt, %rem3A_153, %lt3A : i32
    %lt3A_157 = arith.constant 0 : i32
    %lt3A_158 = arith.cmpi slt, %select_n3A_152, %lt3A_157 : i32
    %ne3A_159 = arith.xori %lt3A_156, %lt3A_158 : i1
    %and3A_160 = arith.andi %ne3A_159, %ne3A_155 : i1
    %add3A_161 = arith.addi %rem3A_153, %select_n3A_152 : i32
    %select_n3A_162 = arith.select %and3A_160, %add3A_161, %rem3A_153 : i32
    %dma_wait3A_163 = arith.constant 0 : i32
    %dma_wait3A_164 = arith.constant 0 : i32
    %dma_wait3A_165 = arith.constant 0 : i32
    %dma_wait3A_166 = tpu.memref_slice %arg4[%dma_wait3A_163, %dma_wait3A_164, %dma_wait3A_165] : memref<26x1000x1024xi32, #tpu.memory_space<hbm>> -> memref<1x1000x128xi32, #tpu.memory_space<hbm>>
    %dma_wait3A_167 = tpu.memref_squeeze %dma_wait3A_166 : memref<1x1000x128xi32, #tpu.memory_space<hbm>> -> memref<1000x128xi32, #tpu.memory_space<hbm>>
    %dma_wait3A_168 = arith.constant 0 : i32
    %dma_wait3A_169 = arith.constant 0 : i32
    %dma_wait3A_170 = tpu.memref_slice %arg4[%dma_wait3A_163, %dma_wait3A_168, %dma_wait3A_169] : memref<26x1000x1024xi32, #tpu.memory_space<hbm>> -> memref<1x1000x128xi32, #tpu.memory_space<hbm>>
    %dma_wait3A_171 = tpu.memref_squeeze %dma_wait3A_170 : memref<1x1000x128xi32, #tpu.memory_space<hbm>> -> memref<1000x128xi32, #tpu.memory_space<hbm>>
    tpu.wait_dma2 semaphore(%arg7 : memref<!tpu.dma_semaphore, #tpu.memory_space<semaphore_mem>>) src(%arg6 : memref<1000x128xi32, #tpu.memory_space<vmem>>) dst(%dma_wait3A_171 : memref<1000x128xi32, #tpu.memory_space<hbm>>)
    %get3A = arith.constant 0 : index
    %get3A_172 = tpu.vector_load %arg5[%get3A] {strides = array<i32>} : memref<896xi32, #tpu.memory_space<vmem>>, vector<16xi32>,
    %add3A_173 = arith.constant 0 : i32
    %add3A_174 = vector.broadcast %add3A_173 : i32 to vector<16xi32>
    %add3A_175 = arith.addi %iota3A, %add3A_174 : vector<16xi32>
    tpu.vector_store_idx %arg6[%get3A_172, %add3A_175], %broadcast_in_dim3A_126 : memref<1000x128xi32, #tpu.memory_space<vmem>>[vector<16xi32>, vector<16xi32>], vector<16xi32>,
    %get3A_176 = arith.constant 16 : index
    %get3A_177 = tpu.vector_load %arg5[%get3A_176] {strides = array<i32>} : memref<896xi32, #tpu.memory_space<vmem>>, vector<16xi32>,
    %add3A_178 = arith.constant 16 : i32
    %add3A_179 = vector.broadcast %add3A_178 : i32 to vector<16xi32>
    %add3A_180 = arith.addi %iota3A, %add3A_179 : vector<16xi32>
    tpu.vector_store_idx %arg6[%get3A_177, %add3A_180], %broadcast_in_dim3A_126 : memref<1000x128xi32, #tpu.memory_space<vmem>>[vector<16xi32>, vector<16xi32>], vector<16xi32>,
    %get3A_181 = arith.constant 32 : index
    %get3A_182 = tpu.vector_load %arg5[%get3A_181] {strides = array<i32>} : memref<896xi32, #tpu.memory_space<vmem>>, vector<16xi32>,
    %add3A_183 = arith.constant 32 : i32
    %add3A_184 = vector.broadcast %add3A_183 : i32 to vector<16xi32>
    %add3A_185 = arith.addi %iota3A, %add3A_184 : vector<16xi32>
    tpu.vector_store_idx %arg6[%get3A_182, %add3A_185], %broadcast_in_dim3A_126 : memref<1000x128xi32, #tpu.memory_space<vmem>>[vector<16xi32>, vector<16xi32>], vector<16xi32>,
    %get3A_186 = arith.constant 48 : index
    %get3A_187 = tpu.vector_load %arg5[%get3A_186] {strides = array<i32>} : memref<896xi32, #tpu.memory_space<vmem>>, vector<16xi32>,
    %add3A_188 = arith.constant 48 : i32
    %add3A_189 = vector.broadcast %add3A_188 : i32 to vector<16xi32>
    %add3A_190 = arith.addi %iota3A, %add3A_189 : vector<16xi32>
    tpu.vector_store_idx %arg6[%get3A_187, %add3A_190], %broadcast_in_dim3A_126 : memref<1000x128xi32, #tpu.memory_space<vmem>>[vector<16xi32>, vector<16xi32>], vector<16xi32>,
    %get3A_191 = arith.constant 64 : index
    %get3A_192 = tpu.vector_load %arg5[%get3A_191] {strides = array<i32>} : memref<896xi32, #tpu.memory_space<vmem>>, vector<16xi32>,
    %add3A_193 = arith.constant 64 : i32
    %add3A_194 = vector.broadcast %add3A_193 : i32 to vector<16xi32>
    %add3A_195 = arith.addi %iota3A, %add3A_194 : vector<16xi32>
    tpu.vector_store_idx %arg6[%get3A_192, %add3A_195], %broadcast_in_dim3A_126 : memref<1000x128xi32, #tpu.memory_space<vmem>>[vector<16xi32>, vector<16xi32>], vector<16xi32>,
    %get3A_196 = arith.constant 80 : index
    %get3A_197 = tpu.vector_load %arg5[%get3A_196] {strides = array<i32>} : memref<896xi32, #tpu.memory_space<vmem>>, vector<16xi32>,
    %add3A_198 = arith.constant 80 : i32
    %add3A_199 = vector.broadcast %add3A_198 : i32 to vector<16xi32>
    %add3A_200 = arith.addi %iota3A, %add3A_199 : vector<16xi32>
    tpu.vector_store_idx %arg6[%get3A_197, %add3A_200], %broadcast_in_dim3A_126 : memref<1000x128xi32, #tpu.memory_space<vmem>>[vector<16xi32>, vector<16xi32>], vector<16xi32>,
    %get3A_201 = arith.constant 96 : index
    %get3A_202 = tpu.vector_load %arg5[%get3A_201] {strides = array<i32>} : memref<896xi32, #tpu.memory_space<vmem>>, vector<16xi32>,
    %add3A_203 = arith.constant 96 : i32
    %add3A_204 = vector.broadcast %add3A_203 : i32 to vector<16xi32>
    %add3A_205 = arith.addi %iota3A, %add3A_204 : vector<16xi32>
    tpu.vector_store_idx %arg6[%get3A_202, %add3A_205], %broadcast_in_dim3A_126 : memref<1000x128xi32, #tpu.memory_space<vmem>>[vector<16xi32>, vector<16xi32>], vector<16xi32>,
    %get3A_206 = arith.constant 112 : index
    %get3A_207 = tpu.vector_load %arg5[%get3A_206] {strides = array<i32>} : memref<896xi32, #tpu.memory_space<vmem>>, vector<16xi32>,
    %add3A_208 = arith.constant 112 : i32
    %add3A_209 = vector.broadcast %add3A_208 : i32 to vector<16xi32>
    %add3A_210 = arith.addi %iota3A, %add3A_209 : vector<16xi32>
    tpu.vector_store_idx %arg6[%get3A_207, %add3A_210], %broadcast_in_dim3A_126 : memref<1000x128xi32, #tpu.memory_space<vmem>>[vector<16xi32>, vector<16xi32>], vector<16xi32>,
    %mul3A_211 = arith.constant 128 : i32
    %mul3A_212 = arith.muli %select_n3A_162, %mul3A_211 : i32
    %dma_start3A_213 = arith.constant 0 : i32
    %dma_start3A_214 = tpu.memref_slice %arg4[%select_n3A, %dma_start3A_213, %mul3A_212] : memref<26x1000x1024xi32, #tpu.memory_space<hbm>> -> memref<1x1000x128xi32, #tpu.memory_space<hbm>>
    %dma_start3A_215 = tpu.memref_squeeze %dma_start3A_214 : memref<1x1000x128xi32, #tpu.memory_space<hbm>> -> memref<1000x128xi32, #tpu.memory_space<hbm>>
    %dma_start3A_216 = arith.constant 0 : i32
    %dma_start3A_217 = tpu.memref_slice %arg4[%select_n3A, %dma_start3A_216, %mul3A_212] : memref<26x1000x1024xi32, #tpu.memory_space<hbm>> -> memref<1x1000x128xi32, #tpu.memory_space<hbm>>
    %dma_start3A_218 = tpu.memref_squeeze %dma_start3A_217 : memref<1x1000x128xi32, #tpu.memory_space<hbm>> -> memref<1000x128xi32, #tpu.memory_space<hbm>>
    tpu.enqueue_dma source(%arg6 : memref<1000x128xi32, #tpu.memory_space<vmem>>) target(%dma_start3A_218 : memref<1000x128xi32, #tpu.memory_space<hbm>>) target_semaphore(%arg7 : memref<!tpu.dma_semaphore, #tpu.memory_space<semaphore_mem>>)
    %add3A_219 = arith.constant 32 : i32
    %add3A_220 = arith.addi %add3A_219, %add3A : i32
    %jit3A_221 = arith.constant 8 : i32
    %div3A_222 = arith.divsi %add3A_220, %jit3A_221 : i32
    %sign3A_223 = arith.constant 0 : i32
    %sign3A_224 = arith.cmpi sgt, %add3A_220, %sign3A_223 : i32
    %sign3A_225 = arith.extui %sign3A_224 : i1 to i32
    %sign3A_226 = arith.constant 0 : i32
    %sign3A_227 = arith.cmpi slt, %add3A_220, %sign3A_226 : i32
    %sign3A_228 = arith.extui %sign3A_227 : i1 to i32
    %sign3A_229 = arith.subi %sign3A_225, %sign3A_228 : i32
    %sign3A_230 = arith.constant 0 : i32
    %sign3A_231 = arith.cmpi sgt, %jit3A_221, %sign3A_230 : i32
    %sign3A_232 = arith.extui %sign3A_231 : i1 to i32
    %sign3A_233 = arith.constant 0 : i32
    %sign3A_234 = arith.cmpi slt, %jit3A_221, %sign3A_233 : i32
    %sign3A_235 = arith.extui %sign3A_234 : i1 to i32
    %sign3A_236 = arith.subi %sign3A_232, %sign3A_235 : i32
    %ne3A_237 = arith.cmpi ne, %sign3A_229, %sign3A_236 : i32
    %rem3A_238 = arith.remsi %add3A_220, %jit3A_221 : i32
    %ne3A_239 = arith.constant 0 : i32
    %ne3A_240 = arith.cmpi ne, %rem3A_238, %ne3A_239 : i32
    %and3A_241 = arith.andi %ne3A_237, %ne3A_240 : i1
    %sub3A_242 = arith.constant 1 : i32
    %sub3A_243 = arith.subi %div3A_222, %sub3A_242 : i32
    %select_n3A_244 = arith.select %and3A_241, %sub3A_243, %div3A_222 : i32
    %jit3A_245 = arith.constant 8 : i32
    %eq3A_246 = arith.constant 0 : i32
    %eq3A_247 = arith.cmpi eq, %jit3A_245, %eq3A_246 : i32
    %jit3A_248 = arith.constant 1 : i32
    %select_n3A_249 = arith.select %eq3A_247, %jit3A_248, %jit3A_245 : i32
    %rem3A_250 = arith.remsi %add3A_220, %select_n3A_249 : i32
    %ne3A_251 = arith.constant 0 : i32
    %ne3A_252 = arith.cmpi ne, %rem3A_250, %ne3A_251 : i32
    %lt3A_253 = arith.constant 0 : i32
    %lt3A_254 = arith.cmpi slt, %rem3A_250, %lt3A_253 : i32
    %lt3A_255 = arith.constant 0 : i32
    %lt3A_256 = arith.cmpi slt, %select_n3A_249, %lt3A_255 : i32
    %ne3A_257 = arith.xori %lt3A_254, %lt3A_256 : i1
    %and3A_258 = arith.andi %ne3A_257, %ne3A_252 : i1
    %add3A_259 = arith.addi %rem3A_250, %select_n3A_249 : i32
    %select_n3A_260 = arith.select %and3A_258, %add3A_259, %rem3A_250 : i32
    %dma_wait3A_261 = arith.constant 0 : i32
    %dma_wait3A_262 = arith.constant 0 : i32
    %dma_wait3A_263 = arith.constant 0 : i32
    %dma_wait3A_264 = tpu.memref_slice %arg4[%dma_wait3A_261, %dma_wait3A_262, %dma_wait3A_263] : memref<26x1000x1024xi32, #tpu.memory_space<hbm>> -> memref<1x1000x128xi32, #tpu.memory_space<hbm>>
    %dma_wait3A_265 = tpu.memref_squeeze %dma_wait3A_264 : memref<1x1000x128xi32, #tpu.memory_space<hbm>> -> memref<1000x128xi32, #tpu.memory_space<hbm>>
    %dma_wait3A_266 = arith.constant 0 : i32
    %dma_wait3A_267 = arith.constant 0 : i32
    %dma_wait3A_268 = tpu.memref_slice %arg4[%dma_wait3A_261, %dma_wait3A_266, %dma_wait3A_267] : memref<26x1000x1024xi32, #tpu.memory_space<hbm>> -> memref<1x1000x128xi32, #tpu.memory_space<hbm>>
    %dma_wait3A_269 = tpu.memref_squeeze %dma_wait3A_268 : memref<1x1000x128xi32, #tpu.memory_space<hbm>> -> memref<1000x128xi32, #tpu.memory_space<hbm>>
    tpu.wait_dma2 semaphore(%arg7 : memref<!tpu.dma_semaphore, #tpu.memory_space<semaphore_mem>>) src(%arg6 : memref<1000x128xi32, #tpu.memory_space<vmem>>) dst(%dma_wait3A_269 : memref<1000x128xi32, #tpu.memory_space<hbm>>)
    %get3A_270 = arith.constant 0 : index
    %get3A_271 = tpu.vector_load %arg5[%get3A_270] {strides = array<i32>} : memref<896xi32, #tpu.memory_space<vmem>>, vector<16xi32>,
    %add3A_272 = arith.constant 0 : i32
    %add3A_273 = vector.broadcast %add3A_272 : i32 to vector<16xi32>
    %add3A_274 = arith.addi %iota3A, %add3A_273 : vector<16xi32>
    tpu.vector_store_idx %arg6[%get3A_271, %add3A_274], %broadcast_in_dim3A_128 : memref<1000x128xi32, #tpu.memory_space<vmem>>[vector<16xi32>, vector<16xi32>], vector<16xi32>,
    %get3A_275 = arith.constant 16 : index
    %get3A_276 = tpu.vector_load %arg5[%get3A_275] {strides = array<i32>} : memref<896xi32, #tpu.memory_space<vmem>>, vector<16xi32>,
    %add3A_277 = arith.constant 16 : i32
    %add3A_278 = vector.broadcast %add3A_277 : i32 to vector<16xi32>
    %add3A_279 = arith.addi %iota3A, %add3A_278 : vector<16xi32>
    tpu.vector_store_idx %arg6[%get3A_276, %add3A_279], %broadcast_in_dim3A_128 : memref<1000x128xi32, #tpu.memory_space<vmem>>[vector<16xi32>, vector<16xi32>], vector<16xi32>,
    %get3A_280 = arith.constant 32 : index
    %get3A_281 = tpu.vector_load %arg5[%get3A_280] {strides = array<i32>} : memref<896xi32, #tpu.memory_space<vmem>>, vector<16xi32>,
    %add3A_282 = arith.constant 32 : i32
    %add3A_283 = vector.broadcast %add3A_282 : i32 to vector<16xi32>
    %add3A_284 = arith.addi %iota3A, %add3A_283 : vector<16xi32>
    tpu.vector_store_idx %arg6[%get3A_281, %add3A_284], %broadcast_in_dim3A_128 : memref<1000x128xi32, #tpu.memory_space<vmem>>[vector<16xi32>, vector<16xi32>], vector<16xi32>,
    %get3A_285 = arith.constant 48 : index
    %get3A_286 = tpu.vector_load %arg5[%get3A_285] {strides = array<i32>} : memref<896xi32, #tpu.memory_space<vmem>>, vector<16xi32>,
    %add3A_287 = arith.constant 48 : i32
    %add3A_288 = vector.broadcast %add3A_287 : i32 to vector<16xi32>
    %add3A_289 = arith.addi %iota3A, %add3A_288 : vector<16xi32>
    tpu.vector_store_idx %arg6[%get3A_286, %add3A_289], %broadcast_in_dim3A_128 : memref<1000x128xi32, #tpu.memory_space<vmem>>[vector<16xi32>, vector<16xi32>], vector<16xi32>,
    %get3A_290 = arith.constant 64 : index
    %get3A_291 = tpu.vector_load %arg5[%get3A_290] {strides = array<i32>} : memref<896xi32, #tpu.memory_space<vmem>>, vector<16xi32>,
    %add3A_292 = arith.constant 64 : i32
    %add3A_293 = vector.broadcast %add3A_292 : i32 to vector<16xi32>
    %add3A_294 = arith.addi %iota3A, %add3A_293 : vector<16xi32>
    tpu.vector_store_idx %arg6[%get3A_291, %add3A_294], %broadcast_in_dim3A_128 : memref<1000x128xi32, #tpu.memory_space<vmem>>[vector<16xi32>, vector<16xi32>], vector<16xi32>,
    %get3A_295 = arith.constant 80 : index
    %get3A_296 = tpu.vector_load %arg5[%get3A_295] {strides = array<i32>} : memref<896xi32, #tpu.memory_space<vmem>>, vector<16xi32>,
    %add3A_297 = arith.constant 80 : i32
    %add3A_298 = vector.broadcast %add3A_297 : i32 to vector<16xi32>
    %add3A_299 = arith.addi %iota3A, %add3A_298 : vector<16xi32>
    tpu.vector_store_idx %arg6[%get3A_296, %add3A_299], %broadcast_in_dim3A_128 : memref<1000x128xi32, #tpu.memory_space<vmem>>[vector<16xi32>, vector<16xi32>], vector<16xi32>,
    %get3A_300 = arith.constant 96 : index
    %get3A_301 = tpu.vector_load %arg5[%get3A_300] {strides = array<i32>} : memref<896xi32, #tpu.memory_space<vmem>>, vector<16xi32>,
    %add3A_302 = arith.constant 96 : i32
    %add3A_303 = vector.broadcast %add3A_302 : i32 to vector<16xi32>
    %add3A_304 = arith.addi %iota3A, %add3A_303 : vector<16xi32>
    tpu.vector_store_idx %arg6[%get3A_301, %add3A_304], %broadcast_in_dim3A_128 : memref<1000x128xi32, #tpu.memory_space<vmem>>[vector<16xi32>, vector<16xi32>], vector<16xi32>,
    %get3A_305 = arith.constant 112 : index
    %get3A_306 = tpu.vector_load %arg5[%get3A_305] {strides = array<i32>} : memref<896xi32, #tpu.memory_space<vmem>>, vector<16xi32>,
    %add3A_307 = arith.constant 112 : i32
    %add3A_308 = vector.broadcast %add3A_307 : i32 to vector<16xi32>
    %add3A_309 = arith.addi %iota3A, %add3A_308 : vector<16xi32>
    tpu.vector_store_idx %arg6[%get3A_306, %add3A_309], %broadcast_in_dim3A_128 : memref<1000x128xi32, #tpu.memory_space<vmem>>[vector<16xi32>, vector<16xi32>], vector<16xi32>,
    %get3A_310 = arith.constant 128 : index
    %get3A_311 = tpu.vector_load %arg5[%get3A_310] {strides = array<i32>} : memref<896xi32, #tpu.memory_space<vmem>>, vector<16xi32>,
    %add3A_312 = arith.constant 0 : i32
    %add3A_313 = vector.broadcast %add3A_312 : i32 to vector<16xi32>
    %add3A_314 = arith.addi %iota3A, %add3A_313 : vector<16xi32>
    tpu.vector_store_idx %arg6[%get3A_311, %add3A_314], %broadcast_in_dim3A_126 : memref<1000x128xi32, #tpu.memory_space<vmem>>[vector<16xi32>, vector<16xi32>], vector<16xi32>,
    %get3A_315 = arith.constant 144 : index
    %get3A_316 = tpu.vector_load %arg5[%get3A_315] {strides = array<i32>} : memref<896xi32, #tpu.memory_space<vmem>>, vector<16xi32>,
    %add3A_317 = arith.constant 16 : i32
    %add3A_318 = vector.broadcast %add3A_317 : i32 to vector<16xi32>
    %add3A_319 = arith.addi %iota3A, %add3A_318 : vector<16xi32>
    tpu.vector_store_idx %arg6[%get3A_316, %add3A_319], %broadcast_in_dim3A_126 : memref<1000x128xi32, #tpu.memory_space<vmem>>[vector<16xi32>, vector<16xi32>], vector<16xi32>,
    %get3A_320 = arith.constant 160 : index
    %get3A_321 = tpu.vector_load %arg5[%get3A_320] {strides = array<i32>} : memref<896xi32, #tpu.memory_space<vmem>>, vector<16xi32>,
    %add3A_322 = arith.constant 32 : i32
    %add3A_323 = vector.broadcast %add3A_322 : i32 to vector<16xi32>
    %add3A_324 = arith.addi %iota3A, %add3A_323 : vector<16xi32>
    tpu.vector_store_idx %arg6[%get3A_321, %add3A_324], %broadcast_in_dim3A_126 : memref<1000x128xi32, #tpu.memory_space<vmem>>[vector<16xi32>, vector<16xi32>], vector<16xi32>,
    %get3A_325 = arith.constant 176 : index
    %get3A_326 = tpu.vector_load %arg5[%get3A_325] {strides = array<i32>} : memref<896xi32, #tpu.memory_space<vmem>>, vector<16xi32>,
    %add3A_327 = arith.constant 48 : i32
    %add3A_328 = vector.broadcast %add3A_327 : i32 to vector<16xi32>
    %add3A_329 = arith.addi %iota3A, %add3A_328 : vector<16xi32>
    tpu.vector_store_idx %arg6[%get3A_326, %add3A_329], %broadcast_in_dim3A_126 : memref<1000x128xi32, #tpu.memory_space<vmem>>[vector<16xi32>, vector<16xi32>], vector<16xi32>,
    %get3A_330 = arith.constant 192 : index
    %get3A_331 = tpu.vector_load %arg5[%get3A_330] {strides = array<i32>} : memref<896xi32, #tpu.memory_space<vmem>>, vector<16xi32>,
    %add3A_332 = arith.constant 64 : i32
    %add3A_333 = vector.broadcast %add3A_332 : i32 to vector<16xi32>
    %add3A_334 = arith.addi %iota3A, %add3A_333 : vector<16xi32>
    tpu.vector_store_idx %arg6[%get3A_331, %add3A_334], %broadcast_in_dim3A_126 : memref<1000x128xi32, #tpu.memory_space<vmem>>[vector<16xi32>, vector<16xi32>], vector<16xi32>,
    %get3A_335 = arith.constant 208 : index
    %get3A_336 = tpu.vector_load %arg5[%get3A_335] {strides = array<i32>} : memref<896xi32, #tpu.memory_space<vmem>>, vector<16xi32>,
    %add3A_337 = arith.constant 80 : i32
    %add3A_338 = vector.broadcast %add3A_337 : i32 to vector<16xi32>
    %add3A_339 = arith.addi %iota3A, %add3A_338 : vector<16xi32>
    tpu.vector_store_idx %arg6[%get3A_336, %add3A_339], %broadcast_in_dim3A_126 : memref<1000x128xi32, #tpu.memory_space<vmem>>[vector<16xi32>, vector<16xi32>], vector<16xi32>,
    %get3A_340 = arith.constant 224 : index
    %get3A_341 = tpu.vector_load %arg5[%get3A_340] {strides = array<i32>} : memref<896xi32, #tpu.memory_space<vmem>>, vector<16xi32>,
    %add3A_342 = arith.constant 96 : i32
    %add3A_343 = vector.broadcast %add3A_342 : i32 to vector<16xi32>
    %add3A_344 = arith.addi %iota3A, %add3A_343 : vector<16xi32>
    tpu.vector_store_idx %arg6[%get3A_341, %add3A_344], %broadcast_in_dim3A_126 : memref<1000x128xi32, #tpu.memory_space<vmem>>[vector<16xi32>, vector<16xi32>], vector<16xi32>,
    %get3A_345 = arith.constant 240 : index
    %get3A_346 = tpu.vector_load %arg5[%get3A_345] {strides = array<i32>} : memref<896xi32, #tpu.memory_space<vmem>>, vector<16xi32>,
    %add3A_347 = arith.constant 112 : i32
    %add3A_348 = vector.broadcast %add3A_347 : i32 to vector<16xi32>
    %add3A_349 = arith.addi %iota3A, %add3A_348 : vector<16xi32>
    tpu.vector_store_idx %arg6[%get3A_346, %add3A_349], %broadcast_in_dim3A_126 : memref<1000x128xi32, #tpu.memory_space<vmem>>[vector<16xi32>, vector<16xi32>], vector<16xi32>,
    %mul3A_350 = arith.constant 128 : i32
    %mul3A_351 = arith.muli %select_n3A_260, %mul3A_350 : i32
    %dma_start3A_352 = arith.constant 0 : i32
    %dma_start3A_353 = tpu.memref_slice %arg4[%select_n3A_244, %dma_start3A_352, %mul3A_351] : memref<26x1000x1024xi32, #tpu.memory_space<hbm>> -> memref<1x1000x128xi32, #tpu.memory_space<hbm>>
    %dma_start3A_354 = tpu.memref_squeeze %dma_start3A_353 : memref<1x1000x128xi32, #tpu.memory_space<hbm>> -> memref<1000x128xi32, #tpu.memory_space<hbm>>
    %dma_start3A_355 = arith.constant 0 : i32
    %dma_start3A_356 = tpu.memref_slice %arg4[%select_n3A_244, %dma_start3A_355, %mul3A_351] : memref<26x1000x1024xi32, #tpu.memory_space<hbm>> -> memref<1x1000x128xi32, #tpu.memory_space<hbm>>
    %dma_start3A_357 = tpu.memref_squeeze %dma_start3A_356 : memref<1x1000x128xi32, #tpu.memory_space<hbm>> -> memref<1000x128xi32, #tpu.memory_space<hbm>>
    tpu.enqueue_dma source(%arg6 : memref<1000x128xi32, #tpu.memory_space<vmem>>) target(%dma_start3A_357 : memref<1000x128xi32, #tpu.memory_space<hbm>>) target_semaphore(%arg7 : memref<!tpu.dma_semaphore, #tpu.memory_space<semaphore_mem>>)
    %add3A_358 = arith.constant 64 : i32
    %add3A_359 = arith.addi %add3A_358, %add3A : i32
    %jit3A_360 = arith.constant 8 : i32
    %div3A_361 = arith.divsi %add3A_359, %jit3A_360 : i32
    %sign3A_362 = arith.constant 0 : i32
    %sign3A_363 = arith.cmpi sgt, %add3A_359, %sign3A_362 : i32
    %sign3A_364 = arith.extui %sign3A_363 : i1 to i32
    %sign3A_365 = arith.constant 0 : i32
    %sign3A_366 = arith.cmpi slt, %add3A_359, %sign3A_365 : i32
    %sign3A_367 = arith.extui %sign3A_366 : i1 to i32
    %sign3A_368 = arith.subi %sign3A_364, %sign3A_367 : i32
    %sign3A_369 = arith.constant 0 : i32
    %sign3A_370 = arith.cmpi sgt, %jit3A_360, %sign3A_369 : i32
    %sign3A_371 = arith.extui %sign3A_370 : i1 to i32
    %sign3A_372 = arith.constant 0 : i32
    %sign3A_373 = arith.cmpi slt, %jit3A_360, %sign3A_372 : i32
    %sign3A_374 = arith.extui %sign3A_373 : i1 to i32
    %sign3A_375 = arith.subi %sign3A_371, %sign3A_374 : i32
    %ne3A_376 = arith.cmpi ne, %sign3A_368, %sign3A_375 : i32
    %rem3A_377 = arith.remsi %add3A_359, %jit3A_360 : i32
    %ne3A_378 = arith.constant 0 : i32
    %ne3A_379 = arith.cmpi ne, %rem3A_377, %ne3A_378 : i32
    %and3A_380 = arith.andi %ne3A_376, %ne3A_379 : i1
    %sub3A_381 = arith.constant 1 : i32
    %sub3A_382 = arith.subi %div3A_361, %sub3A_381 : i32
    %select_n3A_383 = arith.select %and3A_380, %sub3A_382, %div3A_361 : i32
    %jit3A_384 = arith.constant 8 : i32
    %eq3A_385 = arith.constant 0 : i32
    %eq3A_386 = arith.cmpi eq, %jit3A_384, %eq3A_385 : i32
    %jit3A_387 = arith.constant 1 : i32
    %select_n3A_388 = arith.select %eq3A_386, %jit3A_387, %jit3A_384 : i32
    %rem3A_389 = arith.remsi %add3A_359, %select_n3A_388 : i32
    %ne3A_390 = arith.constant 0 : i32
    %ne3A_391 = arith.cmpi ne, %rem3A_389, %ne3A_390 : i32
    %lt3A_392 = arith.constant 0 : i32
    %lt3A_393 = arith.cmpi slt, %rem3A_389, %lt3A_392 : i32
    %lt3A_394 = arith.constant 0 : i32
    %lt3A_395 = arith.cmpi slt, %select_n3A_388, %lt3A_394 : i32
    %ne3A_396 = arith.xori %lt3A_393, %lt3A_395 : i1
    %and3A_397 = arith.andi %ne3A_396, %ne3A_391 : i1
    %add3A_398 = arith.addi %rem3A_389, %select_n3A_388 : i32
    %select_n3A_399 = arith.select %and3A_397, %add3A_398, %rem3A_389 : i32
    %dma_wait3A_400 = arith.constant 0 : i32
    %dma_wait3A_401 = arith.constant 0 : i32
    %dma_wait3A_402 = arith.constant 0 : i32
    %dma_wait3A_403 = tpu.memref_slice %arg4[%dma_wait3A_400, %dma_wait3A_401, %dma_wait3A_402] : memref<26x1000x1024xi32, #tpu.memory_space<hbm>> -> memref<1x1000x128xi32, #tpu.memory_space<hbm>>
    %dma_wait3A_404 = tpu.memref_squeeze %dma_wait3A_403 : memref<1x1000x128xi32, #tpu.memory_space<hbm>> -> memref<1000x128xi32, #tpu.memory_space<hbm>>
    %dma_wait3A_405 = arith.constant 0 : i32
    %dma_wait3A_406 = arith.constant 0 : i32
    %dma_wait3A_407 = tpu.memref_slice %arg4[%dma_wait3A_400, %dma_wait3A_405, %dma_wait3A_406] : memref<26x1000x1024xi32, #tpu.memory_space<hbm>> -> memref<1x1000x128xi32, #tpu.memory_space<hbm>>
    %dma_wait3A_408 = tpu.memref_squeeze %dma_wait3A_407 : memref<1x1000x128xi32, #tpu.memory_space<hbm>> -> memref<1000x128xi32, #tpu.memory_space<hbm>>
    tpu.wait_dma2 semaphore(%arg7 : memref<!tpu.dma_semaphore, #tpu.memory_space<semaphore_mem>>) src(%arg6 : memref<1000x128xi32, #tpu.memory_space<vmem>>) dst(%dma_wait3A_408 : memref<1000x128xi32, #tpu.memory_space<hbm>>)
    %get3A_409 = arith.constant 128 : index
    %get3A_410 = tpu.vector_load %arg5[%get3A_409] {strides = array<i32>} : memref<896xi32, #tpu.memory_space<vmem>>, vector<16xi32>,
    %add3A_411 = arith.constant 0 : i32
    %add3A_412 = vector.broadcast %add3A_411 : i32 to vector<16xi32>
    %add3A_413 = arith.addi %iota3A, %add3A_412 : vector<16xi32>
    tpu.vector_store_idx %arg6[%get3A_410, %add3A_413], %broadcast_in_dim3A_128 : memref<1000x128xi32, #tpu.memory_space<vmem>>[vector<16xi32>, vector<16xi32>], vector<16xi32>,
    %get3A_414 = arith.constant 144 : index
    %get3A_415 = tpu.vector_load %arg5[%get3A_414] {strides = array<i32>} : memref<896xi32, #tpu.memory_space<vmem>>, vector<16xi32>,
    %add3A_416 = arith.constant 16 : i32
    %add3A_417 = vector.broadcast %add3A_416 : i32 to vector<16xi32>
    %add3A_418 = arith.addi %iota3A, %add3A_417 : vector<16xi32>
    tpu.vector_store_idx %arg6[%get3A_415, %add3A_418], %broadcast_in_dim3A_128 : memref<1000x128xi32, #tpu.memory_space<vmem>>[vector<16xi32>, vector<16xi32>], vector<16xi32>,
    %get3A_419 = arith.constant 160 : index
    %get3A_420 = tpu.vector_load %arg5[%get3A_419] {strides = array<i32>} : memref<896xi32, #tpu.memory_space<vmem>>, vector<16xi32>,
    %add3A_421 = arith.constant 32 : i32
    %add3A_422 = vector.broadcast %add3A_421 : i32 to vector<16xi32>
    %add3A_423 = arith.addi %iota3A, %add3A_422 : vector<16xi32>
    tpu.vector_store_idx %arg6[%get3A_420, %add3A_423], %broadcast_in_dim3A_128 : memref<1000x128xi32, #tpu.memory_space<vmem>>[vector<16xi32>, vector<16xi32>], vector<16xi32>,
    %get3A_424 = arith.constant 176 : index
    %get3A_425 = tpu.vector_load %arg5[%get3A_424] {strides = array<i32>} : memref<896xi32, #tpu.memory_space<vmem>>, vector<16xi32>,
    %add3A_426 = arith.constant 48 : i32
    %add3A_427 = vector.broadcast %add3A_426 : i32 to vector<16xi32>
    %add3A_428 = arith.addi %iota3A, %add3A_427 : vector<16xi32>
    tpu.vector_store_idx %arg6[%get3A_425, %add3A_428], %broadcast_in_dim3A_128 : memref<1000x128xi32, #tpu.memory_space<vmem>>[vector<16xi32>, vector<16xi32>], vector<16xi32>,
    %get3A_429 = arith.constant 192 : index
    %get3A_430 = tpu.vector_load %arg5[%get3A_429] {strides = array<i32>} : memref<896xi32, #tpu.memory_space<vmem>>, vector<16xi32>,
    %add3A_431 = arith.constant 64 : i32
    %add3A_432 = vector.broadcast %add3A_431 : i32 to vector<16xi32>
    %add3A_433 = arith.addi %iota3A, %add3A_432 : vector<16xi32>
    tpu.vector_store_idx %arg6[%get3A_430, %add3A_433], %broadcast_in_dim3A_128 : memref<1000x128xi32, #tpu.memory_space<vmem>>[vector<16xi32>, vector<16xi32>], vector<16xi32>,
    %get3A_434 = arith.constant 208 : index
    %get3A_435 = tpu.vector_load %arg5[%get3A_434] {strides = array<i32>} : memref<896xi32, #tpu.memory_space<vmem>>, vector<16xi32>,
    %add3A_436 = arith.constant 80 : i32
    %add3A_437 = vector.broadcast %add3A_436 : i32 to vector<16xi32>
    %add3A_438 = arith.addi %iota3A, %add3A_437 : vector<16xi32>
    tpu.vector_store_idx %arg6[%get3A_435, %add3A_438], %broadcast_in_dim3A_128 : memref<1000x128xi32, #tpu.memory_space<vmem>>[vector<16xi32>, vector<16xi32>], vector<16xi32>,
    %get3A_439 = arith.constant 224 : index
    %get3A_440 = tpu.vector_load %arg5[%get3A_439] {strides = array<i32>} : memref<896xi32, #tpu.memory_space<vmem>>, vector<16xi32>,
    %add3A_441 = arith.constant 96 : i32
    %add3A_442 = vector.broadcast %add3A_441 : i32 to vector<16xi32>
    %add3A_443 = arith.addi %iota3A, %add3A_442 : vector<16xi32>
    tpu.vector_store_idx %arg6[%get3A_440, %add3A_443], %broadcast_in_dim3A_128 : memref<1000x128xi32, #tpu.memory_space<vmem>>[vector<16xi32>, vector<16xi32>], vector<16xi32>,
    %get3A_444 = arith.constant 240 : index
    %get3A_445 = tpu.vector_load %arg5[%get3A_444] {strides = array<i32>} : memref<896xi32, #tpu.memory_space<vmem>>, vector<16xi32>,
    %add3A_446 = arith.constant 112 : i32
    %add3A_447 = vector.broadcast %add3A_446 : i32 to vector<16xi32>
    %add3A_448 = arith.addi %iota3A, %add3A_447 : vector<16xi32>
    tpu.vector_store_idx %arg6[%get3A_445, %add3A_448], %broadcast_in_dim3A_128 : memref<1000x128xi32, #tpu.memory_space<vmem>>[vector<16xi32>, vector<16xi32>], vector<16xi32>,
    %get3A_449 = arith.constant 256 : index
    %get3A_450 = tpu.vector_load %arg5[%get3A_449] {strides = array<i32>} : memref<896xi32, #tpu.memory_space<vmem>>, vector<16xi32>,
    %add3A_451 = arith.constant 0 : i32
    %add3A_452 = vector.broadcast %add3A_451 : i32 to vector<16xi32>
    %add3A_453 = arith.addi %iota3A, %add3A_452 : vector<16xi32>
    tpu.vector_store_idx %arg6[%get3A_450, %add3A_453], %broadcast_in_dim3A_126 : memref<1000x128xi32, #tpu.memory_space<vmem>>[vector<16xi32>, vector<16xi32>], vector<16xi32>,
    %get3A_454 = arith.constant 272 : index
    %get3A_455 = tpu.vector_load %arg5[%get3A_454] {strides = array<i32>} : memref<896xi32, #tpu.memory_space<vmem>>, vector<16xi32>,
    %add3A_456 = arith.constant 16 : i32
    %add3A_457 = vector.broadcast %add3A_456 : i32 to vector<16xi32>
    %add3A_458 = arith.addi %iota3A, %add3A_457 : vector<16xi32>
    tpu.vector_store_idx %arg6[%get3A_455, %add3A_458], %broadcast_in_dim3A_126 : memref<1000x128xi32, #tpu.memory_space<vmem>>[vector<16xi32>, vector<16xi32>], vector<16xi32>,
    %get3A_459 = arith.constant 288 : index
    %get3A_460 = tpu.vector_load %arg5[%get3A_459] {strides = array<i32>} : memref<896xi32, #tpu.memory_space<vmem>>, vector<16xi32>,
    %add3A_461 = arith.constant 32 : i32
    %add3A_462 = vector.broadcast %add3A_461 : i32 to vector<16xi32>
    %add3A_463 = arith.addi %iota3A, %add3A_462 : vector<16xi32>
    tpu.vector_store_idx %arg6[%get3A_460, %add3A_463], %broadcast_in_dim3A_126 : memref<1000x128xi32, #tpu.memory_space<vmem>>[vector<16xi32>, vector<16xi32>], vector<16xi32>,
    %get3A_464 = arith.constant 304 : index
    %get3A_465 = tpu.vector_load %arg5[%get3A_464] {strides = array<i32>} : memref<896xi32, #tpu.memory_space<vmem>>, vector<16xi32>,
    %add3A_466 = arith.constant 48 : i32
    %add3A_467 = vector.broadcast %add3A_466 : i32 to vector<16xi32>
    %add3A_468 = arith.addi %iota3A, %add3A_467 : vector<16xi32>
    tpu.vector_store_idx %arg6[%get3A_465, %add3A_468], %broadcast_in_dim3A_126 : memref<1000x128xi32, #tpu.memory_space<vmem>>[vector<16xi32>, vector<16xi32>], vector<16xi32>,
    %get3A_469 = arith.constant 320 : index
    %get3A_470 = tpu.vector_load %arg5[%get3A_469] {strides = array<i32>} : memref<896xi32, #tpu.memory_space<vmem>>, vector<16xi32>,
    %add3A_471 = arith.constant 64 : i32
    %add3A_472 = vector.broadcast %add3A_471 : i32 to vector<16xi32>
    %add3A_473 = arith.addi %iota3A, %add3A_472 : vector<16xi32>
    tpu.vector_store_idx %arg6[%get3A_470, %add3A_473], %broadcast_in_dim3A_126 : memref<1000x128xi32, #tpu.memory_space<vmem>>[vector<16xi32>, vector<16xi32>], vector<16xi32>,
    %get3A_474 = arith.constant 336 : index
    %get3A_475 = tpu.vector_load %arg5[%get3A_474] {strides = array<i32>} : memref<896xi32, #tpu.memory_space<vmem>>, vector<16xi32>,
    %add3A_476 = arith.constant 80 : i32
    %add3A_477 = vector.broadcast %add3A_476 : i32 to vector<16xi32>
    %add3A_478 = arith.addi %iota3A, %add3A_477 : vector<16xi32>
    tpu.vector_store_idx %arg6[%get3A_475, %add3A_478], %broadcast_in_dim3A_126 : memref<1000x128xi32, #tpu.memory_space<vmem>>[vector<16xi32>, vector<16xi32>], vector<16xi32>,
    %get3A_479 = arith.constant 352 : index
    %get3A_480 = tpu.vector_load %arg5[%get3A_479] {strides = array<i32>} : memref<896xi32, #tpu.memory_space<vmem>>, vector<16xi32>,
    %add3A_481 = arith.constant 96 : i32
    %add3A_482 = vector.broadcast %add3A_481 : i32 to vector<16xi32>
    %add3A_483 = arith.addi %iota3A, %add3A_482 : vector<16xi32>
    tpu.vector_store_idx %arg6[%get3A_480, %add3A_483], %broadcast_in_dim3A_126 : memref<1000x128xi32, #tpu.memory_space<vmem>>[vector<16xi32>, vector<16xi32>], vector<16xi32>,
    %get3A_484 = arith.constant 368 : index
    %get3A_485 = tpu.vector_load %arg5[%get3A_484] {strides = array<i32>} : memref<896xi32, #tpu.memory_space<vmem>>, vector<16xi32>,
    %add3A_486 = arith.constant 112 : i32
    %add3A_487 = vector.broadcast %add3A_486 : i32 to vector<16xi32>
    %add3A_488 = arith.addi %iota3A, %add3A_487 : vector<16xi32>
    tpu.vector_store_idx %arg6[%get3A_485, %add3A_488], %broadcast_in_dim3A_126 : memref<1000x128xi32, #tpu.memory_space<vmem>>[vector<16xi32>, vector<16xi32>], vector<16xi32>,
    %mul3A_489 = arith.constant 128 : i32
    %mul3A_490 = arith.muli %select_n3A_399, %mul3A_489 : i32
    %dma_start3A_491 = arith.constant 0 : i32
    %dma_start3A_492 = tpu.memref_slice %arg4[%select_n3A_383, %dma_start3A_491, %mul3A_490] : memref<26x1000x1024xi32, #tpu.memory_space<hbm>> -> memref<1x1000x128xi32, #tpu.memory_space<hbm>>
    %dma_start3A_493 = tpu.memref_squeeze %dma_start3A_492 : memref<1x1000x128xi32, #tpu.memory_space<hbm>> -> memref<1000x128xi32, #tpu.memory_space<hbm>>
    %dma_start3A_494 = arith.constant 0 : i32
    %dma_start3A_495 = tpu.memref_slice %arg4[%select_n3A_383, %dma_start3A_494, %mul3A_490] : memref<26x1000x1024xi32, #tpu.memory_space<hbm>> -> memref<1x1000x128xi32, #tpu.memory_space<hbm>>
    %dma_start3A_496 = tpu.memref_squeeze %dma_start3A_495 : memref<1x1000x128xi32, #tpu.memory_space<hbm>> -> memref<1000x128xi32, #tpu.memory_space<hbm>>
    tpu.enqueue_dma source(%arg6 : memref<1000x128xi32, #tpu.memory_space<vmem>>) target(%dma_start3A_496 : memref<1000x128xi32, #tpu.memory_space<hbm>>) target_semaphore(%arg7 : memref<!tpu.dma_semaphore, #tpu.memory_space<semaphore_mem>>)
    %add3A_497 = arith.constant 96 : i32
    %add3A_498 = arith.addi %add3A_497, %add3A : i32
    %jit3A_499 = arith.constant 8 : i32
    %div3A_500 = arith.divsi %add3A_498, %jit3A_499 : i32
    %sign3A_501 = arith.constant 0 : i32
    %sign3A_502 = arith.cmpi sgt, %add3A_498, %sign3A_501 : i32
    %sign3A_503 = arith.extui %sign3A_502 : i1 to i32
    %sign3A_504 = arith.constant 0 : i32
    %sign3A_505 = arith.cmpi slt, %add3A_498, %sign3A_504 : i32
    %sign3A_506 = arith.extui %sign3A_505 : i1 to i32
    %sign3A_507 = arith.subi %sign3A_503, %sign3A_506 : i32
    %sign3A_508 = arith.constant 0 : i32
    %sign3A_509 = arith.cmpi sgt, %jit3A_499, %sign3A_508 : i32
    %sign3A_510 = arith.extui %sign3A_509 : i1 to i32
    %sign3A_511 = arith.constant 0 : i32
    %sign3A_512 = arith.cmpi slt, %jit3A_499, %sign3A_511 : i32
    %sign3A_513 = arith.extui %sign3A_512 : i1 to i32
    %sign3A_514 = arith.subi %sign3A_510, %sign3A_513 : i32
    %ne3A_515 = arith.cmpi ne, %sign3A_507, %sign3A_514 : i32
    %rem3A_516 = arith.remsi %add3A_498, %jit3A_499 : i32
    %ne3A_517 = arith.constant 0 : i32
    %ne3A_518 = arith.cmpi ne, %rem3A_516, %ne3A_517 : i32
    %and3A_519 = arith.andi %ne3A_515, %ne3A_518 : i1
    %sub3A_520 = arith.constant 1 : i32
    %sub3A_521 = arith.subi %div3A_500, %sub3A_520 : i32
    %select_n3A_522 = arith.select %and3A_519, %sub3A_521, %div3A_500 : i32
    %jit3A_523 = arith.constant 8 : i32
    %eq3A_524 = arith.constant 0 : i32
    %eq3A_525 = arith.cmpi eq, %jit3A_523, %eq3A_524 : i32
    %jit3A_526 = arith.constant 1 : i32
    %select_n3A_527 = arith.select %eq3A_525, %jit3A_526, %jit3A_523 : i32
    %rem3A_528 = arith.remsi %add3A_498, %select_n3A_527 : i32
    %ne3A_529 = arith.constant 0 : i32
    %ne3A_530 = arith.cmpi ne, %rem3A_528, %ne3A_529 : i32
    %lt3A_531 = arith.constant 0 : i32
    %lt3A_532 = arith.cmpi slt, %rem3A_528, %lt3A_531 : i32
    %lt3A_533 = arith.constant 0 : i32
    %lt3A_534 = arith.cmpi slt, %select_n3A_527, %lt3A_533 : i32
    %ne3A_535 = arith.xori %lt3A_532, %lt3A_534 : i1
    %and3A_536 = arith.andi %ne3A_535, %ne3A_530 : i1
    %add3A_537 = arith.addi %rem3A_528, %select_n3A_527 : i32
    %select_n3A_538 = arith.select %and3A_536, %add3A_537, %rem3A_528 : i32
    %dma_wait3A_539 = arith.constant 0 : i32
    %dma_wait3A_540 = arith.constant 0 : i32
    %dma_wait3A_541 = arith.constant 0 : i32
    %dma_wait3A_542 = tpu.memref_slice %arg4[%dma_wait3A_539, %dma_wait3A_540, %dma_wait3A_541] : memref<26x1000x1024xi32, #tpu.memory_space<hbm>> -> memref<1x1000x128xi32, #tpu.memory_space<hbm>>
    %dma_wait3A_543 = tpu.memref_squeeze %dma_wait3A_542 : memref<1x1000x128xi32, #tpu.memory_space<hbm>> -> memref<1000x128xi32, #tpu.memory_space<hbm>>
    %dma_wait3A_544 = arith.constant 0 : i32
    %dma_wait3A_545 = arith.constant 0 : i32
    %dma_wait3A_546 = tpu.memref_slice %arg4[%dma_wait3A_539, %dma_wait3A_544, %dma_wait3A_545] : memref<26x1000x1024xi32, #tpu.memory_space<hbm>> -> memref<1x1000x128xi32, #tpu.memory_space<hbm>>
    %dma_wait3A_547 = tpu.memref_squeeze %dma_wait3A_546 : memref<1x1000x128xi32, #tpu.memory_space<hbm>> -> memref<1000x128xi32, #tpu.memory_space<hbm>>
    tpu.wait_dma2 semaphore(%arg7 : memref<!tpu.dma_semaphore, #tpu.memory_space<semaphore_mem>>) src(%arg6 : memref<1000x128xi32, #tpu.memory_space<vmem>>) dst(%dma_wait3A_547 : memref<1000x128xi32, #tpu.memory_space<hbm>>)
    %get3A_548 = arith.constant 256 : index
    %get3A_549 = tpu.vector_load %arg5[%get3A_548] {strides = array<i32>} : memref<896xi32, #tpu.memory_space<vmem>>, vector<16xi32>,
    %add3A_550 = arith.constant 0 : i32
    %add3A_551 = vector.broadcast %add3A_550 : i32 to vector<16xi32>
    %add3A_552 = arith.addi %iota3A, %add3A_551 : vector<16xi32>
    tpu.vector_store_idx %arg6[%get3A_549, %add3A_552], %broadcast_in_dim3A_128 : memref<1000x128xi32, #tpu.memory_space<vmem>>[vector<16xi32>, vector<16xi32>], vector<16xi32>,
    %get3A_553 = arith.constant 272 : index
    %get3A_554 = tpu.vector_load %arg5[%get3A_553] {strides = array<i32>} : memref<896xi32, #tpu.memory_space<vmem>>, vector<16xi32>,
    %add3A_555 = arith.constant 16 : i32
    %add3A_556 = vector.broadcast %add3A_555 : i32 to vector<16xi32>
    %add3A_557 = arith.addi %iota3A, %add3A_556 : vector<16xi32>
    tpu.vector_store_idx %arg6[%get3A_554, %add3A_557], %broadcast_in_dim3A_128 : memref<1000x128xi32, #tpu.memory_space<vmem>>[vector<16xi32>, vector<16xi32>], vector<16xi32>,
    %get3A_558 = arith.constant 288 : index
    %get3A_559 = tpu.vector_load %arg5[%get3A_558] {strides = array<i32>} : memref<896xi32, #tpu.memory_space<vmem>>, vector<16xi32>,
    %add3A_560 = arith.constant 32 : i32
    %add3A_561 = vector.broadcast %add3A_560 : i32 to vector<16xi32>
    %add3A_562 = arith.addi %iota3A, %add3A_561 : vector<16xi32>
    tpu.vector_store_idx %arg6[%get3A_559, %add3A_562], %broadcast_in_dim3A_128 : memref<1000x128xi32, #tpu.memory_space<vmem>>[vector<16xi32>, vector<16xi32>], vector<16xi32>,
    %get3A_563 = arith.constant 304 : index
    %get3A_564 = tpu.vector_load %arg5[%get3A_563] {strides = array<i32>} : memref<896xi32, #tpu.memory_space<vmem>>, vector<16xi32>,
    %add3A_565 = arith.constant 48 : i32
    %add3A_566 = vector.broadcast %add3A_565 : i32 to vector<16xi32>
    %add3A_567 = arith.addi %iota3A, %add3A_566 : vector<16xi32>
    tpu.vector_store_idx %arg6[%get3A_564, %add3A_567], %broadcast_in_dim3A_128 : memref<1000x128xi32, #tpu.memory_space<vmem>>[vector<16xi32>, vector<16xi32>], vector<16xi32>,
    %get3A_568 = arith.constant 320 : index
    %get3A_569 = tpu.vector_load %arg5[%get3A_568] {strides = array<i32>} : memref<896xi32, #tpu.memory_space<vmem>>, vector<16xi32>,
    %add3A_570 = arith.constant 64 : i32
    %add3A_571 = vector.broadcast %add3A_570 : i32 to vector<16xi32>
    %add3A_572 = arith.addi %iota3A, %add3A_571 : vector<16xi32>
    tpu.vector_store_idx %arg6[%get3A_569, %add3A_572], %broadcast_in_dim3A_128 : memref<1000x128xi32, #tpu.memory_space<vmem>>[vector<16xi32>, vector<16xi32>], vector<16xi32>,
    %get3A_573 = arith.constant 336 : index
    %get3A_574 = tpu.vector_load %arg5[%get3A_573] {strides = array<i32>} : memref<896xi32, #tpu.memory_space<vmem>>, vector<16xi32>,
    %add3A_575 = arith.constant 80 : i32
    %add3A_576 = vector.broadcast %add3A_575 : i32 to vector<16xi32>
    %add3A_577 = arith.addi %iota3A, %add3A_576 : vector<16xi32>
    tpu.vector_store_idx %arg6[%get3A_574, %add3A_577], %broadcast_in_dim3A_128 : memref<1000x128xi32, #tpu.memory_space<vmem>>[vector<16xi32>, vector<16xi32>], vector<16xi32>,
    %get3A_578 = arith.constant 352 : index
    %get3A_579 = tpu.vector_load %arg5[%get3A_578] {strides = array<i32>} : memref<896xi32, #tpu.memory_space<vmem>>, vector<16xi32>,
    %add3A_580 = arith.constant 96 : i32
    %add3A_581 = vector.broadcast %add3A_580 : i32 to vector<16xi32>
    %add3A_582 = arith.addi %iota3A, %add3A_581 : vector<16xi32>
    tpu.vector_store_idx %arg6[%get3A_579, %add3A_582], %broadcast_in_dim3A_128 : memref<1000x128xi32, #tpu.memory_space<vmem>>[vector<16xi32>, vector<16xi32>], vector<16xi32>,
    %get3A_583 = arith.constant 368 : index
    %get3A_584 = tpu.vector_load %arg5[%get3A_583] {strides = array<i32>} : memref<896xi32, #tpu.memory_space<vmem>>, vector<16xi32>,
    %add3A_585 = arith.constant 112 : i32
    %add3A_586 = vector.broadcast %add3A_585 : i32 to vector<16xi32>
    %add3A_587 = arith.addi %iota3A, %add3A_586 : vector<16xi32>
    tpu.vector_store_idx %arg6[%get3A_584, %add3A_587], %broadcast_in_dim3A_128 : memref<1000x128xi32, #tpu.memory_space<vmem>>[vector<16xi32>, vector<16xi32>], vector<16xi32>,
    %get3A_588 = arith.constant 384 : index
    %get3A_589 = tpu.vector_load %arg5[%get3A_588] {strides = array<i32>} : memref<896xi32, #tpu.memory_space<vmem>>, vector<16xi32>,
    %add3A_590 = arith.constant 0 : i32
    %add3A_591 = vector.broadcast %add3A_590 : i32 to vector<16xi32>
    %add3A_592 = arith.addi %iota3A, %add3A_591 : vector<16xi32>
    tpu.vector_store_idx %arg6[%get3A_589, %add3A_592], %broadcast_in_dim3A_126 : memref<1000x128xi32, #tpu.memory_space<vmem>>[vector<16xi32>, vector<16xi32>], vector<16xi32>,
    %get3A_593 = arith.constant 400 : index
    %get3A_594 = tpu.vector_load %arg5[%get3A_593] {strides = array<i32>} : memref<896xi32, #tpu.memory_space<vmem>>, vector<16xi32>,
    %add3A_595 = arith.constant 16 : i32
    %add3A_596 = vector.broadcast %add3A_595 : i32 to vector<16xi32>
    %add3A_597 = arith.addi %iota3A, %add3A_596 : vector<16xi32>
    tpu.vector_store_idx %arg6[%get3A_594, %add3A_597], %broadcast_in_dim3A_126 : memref<1000x128xi32, #tpu.memory_space<vmem>>[vector<16xi32>, vector<16xi32>], vector<16xi32>,
    %get3A_598 = arith.constant 416 : index
    %get3A_599 = tpu.vector_load %arg5[%get3A_598] {strides = array<i32>} : memref<896xi32, #tpu.memory_space<vmem>>, vector<16xi32>,
    %add3A_600 = arith.constant 32 : i32
    %add3A_601 = vector.broadcast %add3A_600 : i32 to vector<16xi32>
    %add3A_602 = arith.addi %iota3A, %add3A_601 : vector<16xi32>
    tpu.vector_store_idx %arg6[%get3A_599, %add3A_602], %broadcast_in_dim3A_126 : memref<1000x128xi32, #tpu.memory_space<vmem>>[vector<16xi32>, vector<16xi32>], vector<16xi32>,
    %get3A_603 = arith.constant 432 : index
    %get3A_604 = tpu.vector_load %arg5[%get3A_603] {strides = array<i32>} : memref<896xi32, #tpu.memory_space<vmem>>, vector<16xi32>,
    %add3A_605 = arith.constant 48 : i32
    %add3A_606 = vector.broadcast %add3A_605 : i32 to vector<16xi32>
    %add3A_607 = arith.addi %iota3A, %add3A_606 : vector<16xi32>
    tpu.vector_store_idx %arg6[%get3A_604, %add3A_607], %broadcast_in_dim3A_126 : memref<1000x128xi32, #tpu.memory_space<vmem>>[vector<16xi32>, vector<16xi32>], vector<16xi32>,
    %get3A_608 = arith.constant 448 : index
    %get3A_609 = tpu.vector_load %arg5[%get3A_608] {strides = array<i32>} : memref<896xi32, #tpu.memory_space<vmem>>, vector<16xi32>,
    %add3A_610 = arith.constant 64 : i32
    %add3A_611 = vector.broadcast %add3A_610 : i32 to vector<16xi32>
    %add3A_612 = arith.addi %iota3A, %add3A_611 : vector<16xi32>
    tpu.vector_store_idx %arg6[%get3A_609, %add3A_612], %broadcast_in_dim3A_126 : memref<1000x128xi32, #tpu.memory_space<vmem>>[vector<16xi32>, vector<16xi32>], vector<16xi32>,
    %get3A_613 = arith.constant 464 : index
    %get3A_614 = tpu.vector_load %arg5[%get3A_613] {strides = array<i32>} : memref<896xi32, #tpu.memory_space<vmem>>, vector<16xi32>,
    %add3A_615 = arith.constant 80 : i32
    %add3A_616 = vector.broadcast %add3A_615 : i32 to vector<16xi32>
    %add3A_617 = arith.addi %iota3A, %add3A_616 : vector<16xi32>
    tpu.vector_store_idx %arg6[%get3A_614, %add3A_617], %broadcast_in_dim3A_126 : memref<1000x128xi32, #tpu.memory_space<vmem>>[vector<16xi32>, vector<16xi32>], vector<16xi32>,
    %get3A_618 = arith.constant 480 : index
    %get3A_619 = tpu.vector_load %arg5[%get3A_618] {strides = array<i32>} : memref<896xi32, #tpu.memory_space<vmem>>, vector<16xi32>,
    %add3A_620 = arith.constant 96 : i32
    %add3A_621 = vector.broadcast %add3A_620 : i32 to vector<16xi32>
    %add3A_622 = arith.addi %iota3A, %add3A_621 : vector<16xi32>
    tpu.vector_store_idx %arg6[%get3A_619, %add3A_622], %broadcast_in_dim3A_126 : memref<1000x128xi32, #tpu.memory_space<vmem>>[vector<16xi32>, vector<16xi32>], vector<16xi32>,
    %get3A_623 = arith.constant 496 : index
    %get3A_624 = tpu.vector_load %arg5[%get3A_623] {strides = array<i32>} : memref<896xi32, #tpu.memory_space<vmem>>, vector<16xi32>,
    %add3A_625 = arith.constant 112 : i32
    %add3A_626 = vector.broadcast %add3A_625 : i32 to vector<16xi32>
    %add3A_627 = arith.addi %iota3A, %add3A_626 : vector<16xi32>
    tpu.vector_store_idx %arg6[%get3A_624, %add3A_627], %broadcast_in_dim3A_126 : memref<1000x128xi32, #tpu.memory_space<vmem>>[vector<16xi32>, vector<16xi32>], vector<16xi32>,
    %mul3A_628 = arith.constant 128 : i32
    %mul3A_629 = arith.muli %select_n3A_538, %mul3A_628 : i32
    %dma_start3A_630 = arith.constant 0 : i32
    %dma_start3A_631 = tpu.memref_slice %arg4[%select_n3A_522, %dma_start3A_630, %mul3A_629] : memref<26x1000x1024xi32, #tpu.memory_space<hbm>> -> memref<1x1000x128xi32, #tpu.memory_space<hbm>>
    %dma_start3A_632 = tpu.memref_squeeze %dma_start3A_631 : memref<1x1000x128xi32, #tpu.memory_space<hbm>> -> memref<1000x128xi32, #tpu.memory_space<hbm>>
    %dma_start3A_633 = arith.constant 0 : i32
    %dma_start3A_634 = tpu.memref_slice %arg4[%select_n3A_522, %dma_start3A_633, %mul3A_629] : memref<26x1000x1024xi32, #tpu.memory_space<hbm>> -> memref<1x1000x128xi32, #tpu.memory_space<hbm>>
    %dma_start3A_635 = tpu.memref_squeeze %dma_start3A_634 : memref<1x1000x128xi32, #tpu.memory_space<hbm>> -> memref<1000x128xi32, #tpu.memory_space<hbm>>
    tpu.enqueue_dma source(%arg6 : memref<1000x128xi32, #tpu.memory_space<vmem>>) target(%dma_start3A_635 : memref<1000x128xi32, #tpu.memory_space<hbm>>) target_semaphore(%arg7 : memref<!tpu.dma_semaphore, #tpu.memory_space<semaphore_mem>>)
    %add3A_636 = arith.constant 128 : i32
    %add3A_637 = arith.addi %add3A_636, %add3A : i32
    %jit3A_638 = arith.constant 8 : i32
    %div3A_639 = arith.divsi %add3A_637, %jit3A_638 : i32
    %sign3A_640 = arith.constant 0 : i32
    %sign3A_641 = arith.cmpi sgt, %add3A_637, %sign3A_640 : i32
    %sign3A_642 = arith.extui %sign3A_641 : i1 to i32
    %sign3A_643 = arith.constant 0 : i32
    %sign3A_644 = arith.cmpi slt, %add3A_637, %sign3A_643 : i32
    %sign3A_645 = arith.extui %sign3A_644 : i1 to i32
    %sign3A_646 = arith.subi %sign3A_642, %sign3A_645 : i32
    %sign3A_647 = arith.constant 0 : i32
    %sign3A_648 = arith.cmpi sgt, %jit3A_638, %sign3A_647 : i32
    %sign3A_649 = arith.extui %sign3A_648 : i1 to i32
    %sign3A_650 = arith.constant 0 : i32
    %sign3A_651 = arith.cmpi slt, %jit3A_638, %sign3A_650 : i32
    %sign3A_652 = arith.extui %sign3A_651 : i1 to i32
    %sign3A_653 = arith.subi %sign3A_649, %sign3A_652 : i32
    %ne3A_654 = arith.cmpi ne, %sign3A_646, %sign3A_653 : i32
    %rem3A_655 = arith.remsi %add3A_637, %jit3A_638 : i32
    %ne3A_656 = arith.constant 0 : i32
    %ne3A_657 = arith.cmpi ne, %rem3A_655, %ne3A_656 : i32
    %and3A_658 = arith.andi %ne3A_654, %ne3A_657 : i1
    %sub3A_659 = arith.constant 1 : i32
    %sub3A_660 = arith.subi %div3A_639, %sub3A_659 : i32
    %select_n3A_661 = arith.select %and3A_658, %sub3A_660, %div3A_639 : i32
    %jit3A_662 = arith.constant 8 : i32
    %eq3A_663 = arith.constant 0 : i32
    %eq3A_664 = arith.cmpi eq, %jit3A_662, %eq3A_663 : i32
    %jit3A_665 = arith.constant 1 : i32
    %select_n3A_666 = arith.select %eq3A_664, %jit3A_665, %jit3A_662 : i32
    %rem3A_667 = arith.remsi %add3A_637, %select_n3A_666 : i32
    %ne3A_668 = arith.constant 0 : i32
    %ne3A_669 = arith.cmpi ne, %rem3A_667, %ne3A_668 : i32
    %lt3A_670 = arith.constant 0 : i32
    %lt3A_671 = arith.cmpi slt, %rem3A_667, %lt3A_670 : i32
    %lt3A_672 = arith.constant 0 : i32
    %lt3A_673 = arith.cmpi slt, %select_n3A_666, %lt3A_672 : i32
    %ne3A_674 = arith.xori %lt3A_671, %lt3A_673 : i1
    %and3A_675 = arith.andi %ne3A_674, %ne3A_669 : i1
    %add3A_676 = arith.addi %rem3A_667, %select_n3A_666 : i32
    %select_n3A_677 = arith.select %and3A_675, %add3A_676, %rem3A_667 : i32
    %dma_wait3A_678 = arith.constant 0 : i32
    %dma_wait3A_679 = arith.constant 0 : i32
    %dma_wait3A_680 = arith.constant 0 : i32
    %dma_wait3A_681 = tpu.memref_slice %arg4[%dma_wait3A_678, %dma_wait3A_679, %dma_wait3A_680] : memref<26x1000x1024xi32, #tpu.memory_space<hbm>> -> memref<1x1000x128xi32, #tpu.memory_space<hbm>>
    %dma_wait3A_682 = tpu.memref_squeeze %dma_wait3A_681 : memref<1x1000x128xi32, #tpu.memory_space<hbm>> -> memref<1000x128xi32, #tpu.memory_space<hbm>>
    %dma_wait3A_683 = arith.constant 0 : i32
    %dma_wait3A_684 = arith.constant 0 : i32
    %dma_wait3A_685 = tpu.memref_slice %arg4[%dma_wait3A_678, %dma_wait3A_683, %dma_wait3A_684] : memref<26x1000x1024xi32, #tpu.memory_space<hbm>> -> memref<1x1000x128xi32, #tpu.memory_space<hbm>>
    %dma_wait3A_686 = tpu.memref_squeeze %dma_wait3A_685 : memref<1x1000x128xi32, #tpu.memory_space<hbm>> -> memref<1000x128xi32, #tpu.memory_space<hbm>>
    tpu.wait_dma2 semaphore(%arg7 : memref<!tpu.dma_semaphore, #tpu.memory_space<semaphore_mem>>) src(%arg6 : memref<1000x128xi32, #tpu.memory_space<vmem>>) dst(%dma_wait3A_686 : memref<1000x128xi32, #tpu.memory_space<hbm>>)
    %get3A_687 = arith.constant 384 : index
    %get3A_688 = tpu.vector_load %arg5[%get3A_687] {strides = array<i32>} : memref<896xi32, #tpu.memory_space<vmem>>, vector<16xi32>,
    %add3A_689 = arith.constant 0 : i32
    %add3A_690 = vector.broadcast %add3A_689 : i32 to vector<16xi32>
    %add3A_691 = arith.addi %iota3A, %add3A_690 : vector<16xi32>
    tpu.vector_store_idx %arg6[%get3A_688, %add3A_691], %broadcast_in_dim3A_128 : memref<1000x128xi32, #tpu.memory_space<vmem>>[vector<16xi32>, vector<16xi32>], vector<16xi32>,
    %get3A_692 = arith.constant 400 : index
    %get3A_693 = tpu.vector_load %arg5[%get3A_692] {strides = array<i32>} : memref<896xi32, #tpu.memory_space<vmem>>, vector<16xi32>,
    %add3A_694 = arith.constant 16 : i32
    %add3A_695 = vector.broadcast %add3A_694 : i32 to vector<16xi32>
    %add3A_696 = arith.addi %iota3A, %add3A_695 : vector<16xi32>
    tpu.vector_store_idx %arg6[%get3A_693, %add3A_696], %broadcast_in_dim3A_128 : memref<1000x128xi32, #tpu.memory_space<vmem>>[vector<16xi32>, vector<16xi32>], vector<16xi32>,
    %get3A_697 = arith.constant 416 : index
    %get3A_698 = tpu.vector_load %arg5[%get3A_697] {strides = array<i32>} : memref<896xi32, #tpu.memory_space<vmem>>, vector<16xi32>,
    %add3A_699 = arith.constant 32 : i32
    %add3A_700 = vector.broadcast %add3A_699 : i32 to vector<16xi32>
    %add3A_701 = arith.addi %iota3A, %add3A_700 : vector<16xi32>
    tpu.vector_store_idx %arg6[%get3A_698, %add3A_701], %broadcast_in_dim3A_128 : memref<1000x128xi32, #tpu.memory_space<vmem>>[vector<16xi32>, vector<16xi32>], vector<16xi32>,
    %get3A_702 = arith.constant 432 : index
    %get3A_703 = tpu.vector_load %arg5[%get3A_702] {strides = array<i32>} : memref<896xi32, #tpu.memory_space<vmem>>, vector<16xi32>,
    %add3A_704 = arith.constant 48 : i32
    %add3A_705 = vector.broadcast %add3A_704 : i32 to vector<16xi32>
    %add3A_706 = arith.addi %iota3A, %add3A_705 : vector<16xi32>
    tpu.vector_store_idx %arg6[%get3A_703, %add3A_706], %broadcast_in_dim3A_128 : memref<1000x128xi32, #tpu.memory_space<vmem>>[vector<16xi32>, vector<16xi32>], vector<16xi32>,
    %get3A_707 = arith.constant 448 : index
    %get3A_708 = tpu.vector_load %arg5[%get3A_707] {strides = array<i32>} : memref<896xi32, #tpu.memory_space<vmem>>, vector<16xi32>,
    %add3A_709 = arith.constant 64 : i32
    %add3A_710 = vector.broadcast %add3A_709 : i32 to vector<16xi32>
    %add3A_711 = arith.addi %iota3A, %add3A_710 : vector<16xi32>
    tpu.vector_store_idx %arg6[%get3A_708, %add3A_711], %broadcast_in_dim3A_128 : memref<1000x128xi32, #tpu.memory_space<vmem>>[vector<16xi32>, vector<16xi32>], vector<16xi32>,
    %get3A_712 = arith.constant 464 : index
    %get3A_713 = tpu.vector_load %arg5[%get3A_712] {strides = array<i32>} : memref<896xi32, #tpu.memory_space<vmem>>, vector<16xi32>,
    %add3A_714 = arith.constant 80 : i32
    %add3A_715 = vector.broadcast %add3A_714 : i32 to vector<16xi32>
    %add3A_716 = arith.addi %iota3A, %add3A_715 : vector<16xi32>
    tpu.vector_store_idx %arg6[%get3A_713, %add3A_716], %broadcast_in_dim3A_128 : memref<1000x128xi32, #tpu.memory_space<vmem>>[vector<16xi32>, vector<16xi32>], vector<16xi32>,
    %get3A_717 = arith.constant 480 : index
    %get3A_718 = tpu.vector_load %arg5[%get3A_717] {strides = array<i32>} : memref<896xi32, #tpu.memory_space<vmem>>, vector<16xi32>,
    %add3A_719 = arith.constant 96 : i32
    %add3A_720 = vector.broadcast %add3A_719 : i32 to vector<16xi32>
    %add3A_721 = arith.addi %iota3A, %add3A_720 : vector<16xi32>
    tpu.vector_store_idx %arg6[%get3A_718, %add3A_721], %broadcast_in_dim3A_128 : memref<1000x128xi32, #tpu.memory_space<vmem>>[vector<16xi32>, vector<16xi32>], vector<16xi32>,
    %get3A_722 = arith.constant 496 : index
    %get3A_723 = tpu.vector_load %arg5[%get3A_722] {strides = array<i32>} : memref<896xi32, #tpu.memory_space<vmem>>, vector<16xi32>,
    %add3A_724 = arith.constant 112 : i32
    %add3A_725 = vector.broadcast %add3A_724 : i32 to vector<16xi32>
    %add3A_726 = arith.addi %iota3A, %add3A_725 : vector<16xi32>
    tpu.vector_store_idx %arg6[%get3A_723, %add3A_726], %broadcast_in_dim3A_128 : memref<1000x128xi32, #tpu.memory_space<vmem>>[vector<16xi32>, vector<16xi32>], vector<16xi32>,
    %get3A_727 = arith.constant 512 : index
    %get3A_728 = tpu.vector_load %arg5[%get3A_727] {strides = array<i32>} : memref<896xi32, #tpu.memory_space<vmem>>, vector<16xi32>,
    %add3A_729 = arith.constant 0 : i32
    %add3A_730 = vector.broadcast %add3A_729 : i32 to vector<16xi32>
    %add3A_731 = arith.addi %iota3A, %add3A_730 : vector<16xi32>
    tpu.vector_store_idx %arg6[%get3A_728, %add3A_731], %broadcast_in_dim3A_126 : memref<1000x128xi32, #tpu.memory_space<vmem>>[vector<16xi32>, vector<16xi32>], vector<16xi32>,
    %get3A_732 = arith.constant 528 : index
    %get3A_733 = tpu.vector_load %arg5[%get3A_732] {strides = array<i32>} : memref<896xi32, #tpu.memory_space<vmem>>, vector<16xi32>,
    %add3A_734 = arith.constant 16 : i32
    %add3A_735 = vector.broadcast %add3A_734 : i32 to vector<16xi32>
    %add3A_736 = arith.addi %iota3A, %add3A_735 : vector<16xi32>
    tpu.vector_store_idx %arg6[%get3A_733, %add3A_736], %broadcast_in_dim3A_126 : memref<1000x128xi32, #tpu.memory_space<vmem>>[vector<16xi32>, vector<16xi32>], vector<16xi32>,
    %get3A_737 = arith.constant 544 : index
    %get3A_738 = tpu.vector_load %arg5[%get3A_737] {strides = array<i32>} : memref<896xi32, #tpu.memory_space<vmem>>, vector<16xi32>,
    %add3A_739 = arith.constant 32 : i32
    %add3A_740 = vector.broadcast %add3A_739 : i32 to vector<16xi32>
    %add3A_741 = arith.addi %iota3A, %add3A_740 : vector<16xi32>
    tpu.vector_store_idx %arg6[%get3A_738, %add3A_741], %broadcast_in_dim3A_126 : memref<1000x128xi32, #tpu.memory_space<vmem>>[vector<16xi32>, vector<16xi32>], vector<16xi32>,
    %get3A_742 = arith.constant 560 : index
    %get3A_743 = tpu.vector_load %arg5[%get3A_742] {strides = array<i32>} : memref<896xi32, #tpu.memory_space<vmem>>, vector<16xi32>,
    %add3A_744 = arith.constant 48 : i32
    %add3A_745 = vector.broadcast %add3A_744 : i32 to vector<16xi32>
    %add3A_746 = arith.addi %iota3A, %add3A_745 : vector<16xi32>
    tpu.vector_store_idx %arg6[%get3A_743, %add3A_746], %broadcast_in_dim3A_126 : memref<1000x128xi32, #tpu.memory_space<vmem>>[vector<16xi32>, vector<16xi32>], vector<16xi32>,
    %get3A_747 = arith.constant 576 : index
    %get3A_748 = tpu.vector_load %arg5[%get3A_747] {strides = array<i32>} : memref<896xi32, #tpu.memory_space<vmem>>, vector<16xi32>,
    %add3A_749 = arith.constant 64 : i32
    %add3A_750 = vector.broadcast %add3A_749 : i32 to vector<16xi32>
    %add3A_751 = arith.addi %iota3A, %add3A_750 : vector<16xi32>
    tpu.vector_store_idx %arg6[%get3A_748, %add3A_751], %broadcast_in_dim3A_126 : memref<1000x128xi32, #tpu.memory_space<vmem>>[vector<16xi32>, vector<16xi32>], vector<16xi32>,
    %get3A_752 = arith.constant 592 : index
    %get3A_753 = tpu.vector_load %arg5[%get3A_752] {strides = array<i32>} : memref<896xi32, #tpu.memory_space<vmem>>, vector<16xi32>,
    %add3A_754 = arith.constant 80 : i32
    %add3A_755 = vector.broadcast %add3A_754 : i32 to vector<16xi32>
    %add3A_756 = arith.addi %iota3A, %add3A_755 : vector<16xi32>
    tpu.vector_store_idx %arg6[%get3A_753, %add3A_756], %broadcast_in_dim3A_126 : memref<1000x128xi32, #tpu.memory_space<vmem>>[vector<16xi32>, vector<16xi32>], vector<16xi32>,
    %get3A_757 = arith.constant 608 : index
    %get3A_758 = tpu.vector_load %arg5[%get3A_757] {strides = array<i32>} : memref<896xi32, #tpu.memory_space<vmem>>, vector<16xi32>,
    %add3A_759 = arith.constant 96 : i32
    %add3A_760 = vector.broadcast %add3A_759 : i32 to vector<16xi32>
    %add3A_761 = arith.addi %iota3A, %add3A_760 : vector<16xi32>
    tpu.vector_store_idx %arg6[%get3A_758, %add3A_761], %broadcast_in_dim3A_126 : memref<1000x128xi32, #tpu.memory_space<vmem>>[vector<16xi32>, vector<16xi32>], vector<16xi32>,
    %get3A_762 = arith.constant 624 : index
    %get3A_763 = tpu.vector_load %arg5[%get3A_762] {strides = array<i32>} : memref<896xi32, #tpu.memory_space<vmem>>, vector<16xi32>,
    %add3A_764 = arith.constant 112 : i32
    %add3A_765 = vector.broadcast %add3A_764 : i32 to vector<16xi32>
    %add3A_766 = arith.addi %iota3A, %add3A_765 : vector<16xi32>
    tpu.vector_store_idx %arg6[%get3A_763, %add3A_766], %broadcast_in_dim3A_126 : memref<1000x128xi32, #tpu.memory_space<vmem>>[vector<16xi32>, vector<16xi32>], vector<16xi32>,
    %mul3A_767 = arith.constant 128 : i32
    %mul3A_768 = arith.muli %select_n3A_677, %mul3A_767 : i32
    %dma_start3A_769 = arith.constant 0 : i32
    %dma_start3A_770 = tpu.memref_slice %arg4[%select_n3A_661, %dma_start3A_769, %mul3A_768] : memref<26x1000x1024xi32, #tpu.memory_space<hbm>> -> memref<1x1000x128xi32, #tpu.memory_space<hbm>>
    %dma_start3A_771 = tpu.memref_squeeze %dma_start3A_770 : memref<1x1000x128xi32, #tpu.memory_space<hbm>> -> memref<1000x128xi32, #tpu.memory_space<hbm>>
    %dma_start3A_772 = arith.constant 0 : i32
    %dma_start3A_773 = tpu.memref_slice %arg4[%select_n3A_661, %dma_start3A_772, %mul3A_768] : memref<26x1000x1024xi32, #tpu.memory_space<hbm>> -> memref<1x1000x128xi32, #tpu.memory_space<hbm>>
    %dma_start3A_774 = tpu.memref_squeeze %dma_start3A_773 : memref<1x1000x128xi32, #tpu.memory_space<hbm>> -> memref<1000x128xi32, #tpu.memory_space<hbm>>
    tpu.enqueue_dma source(%arg6 : memref<1000x128xi32, #tpu.memory_space<vmem>>) target(%dma_start3A_774 : memref<1000x128xi32, #tpu.memory_space<hbm>>) target_semaphore(%arg7 : memref<!tpu.dma_semaphore, #tpu.memory_space<semaphore_mem>>)
    %add3A_775 = arith.constant 160 : i32
    %add3A_776 = arith.addi %add3A_775, %add3A : i32
    %jit3A_777 = arith.constant 8 : i32
    %div3A_778 = arith.divsi %add3A_776, %jit3A_777 : i32
    %sign3A_779 = arith.constant 0 : i32
    %sign3A_780 = arith.cmpi sgt, %add3A_776, %sign3A_779 : i32
    %sign3A_781 = arith.extui %sign3A_780 : i1 to i32
    %sign3A_782 = arith.constant 0 : i32
    %sign3A_783 = arith.cmpi slt, %add3A_776, %sign3A_782 : i32
    %sign3A_784 = arith.extui %sign3A_783 : i1 to i32
    %sign3A_785 = arith.subi %sign3A_781, %sign3A_784 : i32
    %sign3A_786 = arith.constant 0 : i32
    %sign3A_787 = arith.cmpi sgt, %jit3A_777, %sign3A_786 : i32
    %sign3A_788 = arith.extui %sign3A_787 : i1 to i32
    %sign3A_789 = arith.constant 0 : i32
    %sign3A_790 = arith.cmpi slt, %jit3A_777, %sign3A_789 : i32
    %sign3A_791 = arith.extui %sign3A_790 : i1 to i32
    %sign3A_792 = arith.subi %sign3A_788, %sign3A_791 : i32
    %ne3A_793 = arith.cmpi ne, %sign3A_785, %sign3A_792 : i32
    %rem3A_794 = arith.remsi %add3A_776, %jit3A_777 : i32
    %ne3A_795 = arith.constant 0 : i32
    %ne3A_796 = arith.cmpi ne, %rem3A_794, %ne3A_795 : i32
    %and3A_797 = arith.andi %ne3A_793, %ne3A_796 : i1
    %sub3A_798 = arith.constant 1 : i32
    %sub3A_799 = arith.subi %div3A_778, %sub3A_798 : i32
    %select_n3A_800 = arith.select %and3A_797, %sub3A_799, %div3A_778 : i32
    %jit3A_801 = arith.constant 8 : i32
    %eq3A_802 = arith.constant 0 : i32
    %eq3A_803 = arith.cmpi eq, %jit3A_801, %eq3A_802 : i32
    %jit3A_804 = arith.constant 1 : i32
    %select_n3A_805 = arith.select %eq3A_803, %jit3A_804, %jit3A_801 : i32
    %rem3A_806 = arith.remsi %add3A_776, %select_n3A_805 : i32
    %ne3A_807 = arith.constant 0 : i32
    %ne3A_808 = arith.cmpi ne, %rem3A_806, %ne3A_807 : i32
    %lt3A_809 = arith.constant 0 : i32
    %lt3A_810 = arith.cmpi slt, %rem3A_806, %lt3A_809 : i32
    %lt3A_811 = arith.constant 0 : i32
    %lt3A_812 = arith.cmpi slt, %select_n3A_805, %lt3A_811 : i32
    %ne3A_813 = arith.xori %lt3A_810, %lt3A_812 : i1
    %and3A_814 = arith.andi %ne3A_813, %ne3A_808 : i1
    %add3A_815 = arith.addi %rem3A_806, %select_n3A_805 : i32
    %select_n3A_816 = arith.select %and3A_814, %add3A_815, %rem3A_806 : i32
    %dma_wait3A_817 = arith.constant 0 : i32
    %dma_wait3A_818 = arith.constant 0 : i32
    %dma_wait3A_819 = arith.constant 0 : i32
    %dma_wait3A_820 = tpu.memref_slice %arg4[%dma_wait3A_817, %dma_wait3A_818, %dma_wait3A_819] : memref<26x1000x1024xi32, #tpu.memory_space<hbm>> -> memref<1x1000x128xi32, #tpu.memory_space<hbm>>
    %dma_wait3A_821 = tpu.memref_squeeze %dma_wait3A_820 : memref<1x1000x128xi32, #tpu.memory_space<hbm>> -> memref<1000x128xi32, #tpu.memory_space<hbm>>
    %dma_wait3A_822 = arith.constant 0 : i32
    %dma_wait3A_823 = arith.constant 0 : i32
    %dma_wait3A_824 = tpu.memref_slice %arg4[%dma_wait3A_817, %dma_wait3A_822, %dma_wait3A_823] : memref<26x1000x1024xi32, #tpu.memory_space<hbm>> -> memref<1x1000x128xi32, #tpu.memory_space<hbm>>
    %dma_wait3A_825 = tpu.memref_squeeze %dma_wait3A_824 : memref<1x1000x128xi32, #tpu.memory_space<hbm>> -> memref<1000x128xi32, #tpu.memory_space<hbm>>
    tpu.wait_dma2 semaphore(%arg7 : memref<!tpu.dma_semaphore, #tpu.memory_space<semaphore_mem>>) src(%arg6 : memref<1000x128xi32, #tpu.memory_space<vmem>>) dst(%dma_wait3A_825 : memref<1000x128xi32, #tpu.memory_space<hbm>>)
    %get3A_826 = arith.constant 512 : index
    %get3A_827 = tpu.vector_load %arg5[%get3A_826] {strides = array<i32>} : memref<896xi32, #tpu.memory_space<vmem>>, vector<16xi32>,
    %add3A_828 = arith.constant 0 : i32
    %add3A_829 = vector.broadcast %add3A_828 : i32 to vector<16xi32>
    %add3A_830 = arith.addi %iota3A, %add3A_829 : vector<16xi32>
    tpu.vector_store_idx %arg6[%get3A_827, %add3A_830], %broadcast_in_dim3A_128 : memref<1000x128xi32, #tpu.memory_space<vmem>>[vector<16xi32>, vector<16xi32>], vector<16xi32>,
    %get3A_831 = arith.constant 528 : index
    %get3A_832 = tpu.vector_load %arg5[%get3A_831] {strides = array<i32>} : memref<896xi32, #tpu.memory_space<vmem>>, vector<16xi32>,
    %add3A_833 = arith.constant 16 : i32
    %add3A_834 = vector.broadcast %add3A_833 : i32 to vector<16xi32>
    %add3A_835 = arith.addi %iota3A, %add3A_834 : vector<16xi32>
    tpu.vector_store_idx %arg6[%get3A_832, %add3A_835], %broadcast_in_dim3A_128 : memref<1000x128xi32, #tpu.memory_space<vmem>>[vector<16xi32>, vector<16xi32>], vector<16xi32>,
    %get3A_836 = arith.constant 544 : index
    %get3A_837 = tpu.vector_load %arg5[%get3A_836] {strides = array<i32>} : memref<896xi32, #tpu.memory_space<vmem>>, vector<16xi32>,
    %add3A_838 = arith.constant 32 : i32
    %add3A_839 = vector.broadcast %add3A_838 : i32 to vector<16xi32>
    %add3A_840 = arith.addi %iota3A, %add3A_839 : vector<16xi32>
    tpu.vector_store_idx %arg6[%get3A_837, %add3A_840], %broadcast_in_dim3A_128 : memref<1000x128xi32, #tpu.memory_space<vmem>>[vector<16xi32>, vector<16xi32>], vector<16xi32>,
    %get3A_841 = arith.constant 560 : index
    %get3A_842 = tpu.vector_load %arg5[%get3A_841] {strides = array<i32>} : memref<896xi32, #tpu.memory_space<vmem>>, vector<16xi32>,
    %add3A_843 = arith.constant 48 : i32
    %add3A_844 = vector.broadcast %add3A_843 : i32 to vector<16xi32>
    %add3A_845 = arith.addi %iota3A, %add3A_844 : vector<16xi32>
    tpu.vector_store_idx %arg6[%get3A_842, %add3A_845], %broadcast_in_dim3A_128 : memref<1000x128xi32, #tpu.memory_space<vmem>>[vector<16xi32>, vector<16xi32>], vector<16xi32>,
    %get3A_846 = arith.constant 576 : index
    %get3A_847 = tpu.vector_load %arg5[%get3A_846] {strides = array<i32>} : memref<896xi32, #tpu.memory_space<vmem>>, vector<16xi32>,
    %add3A_848 = arith.constant 64 : i32
    %add3A_849 = vector.broadcast %add3A_848 : i32 to vector<16xi32>
    %add3A_850 = arith.addi %iota3A, %add3A_849 : vector<16xi32>
    tpu.vector_store_idx %arg6[%get3A_847, %add3A_850], %broadcast_in_dim3A_128 : memref<1000x128xi32, #tpu.memory_space<vmem>>[vector<16xi32>, vector<16xi32>], vector<16xi32>,
    %get3A_851 = arith.constant 592 : index
    %get3A_852 = tpu.vector_load %arg5[%get3A_851] {strides = array<i32>} : memref<896xi32, #tpu.memory_space<vmem>>, vector<16xi32>,
    %add3A_853 = arith.constant 80 : i32
    %add3A_854 = vector.broadcast %add3A_853 : i32 to vector<16xi32>
    %add3A_855 = arith.addi %iota3A, %add3A_854 : vector<16xi32>
    tpu.vector_store_idx %arg6[%get3A_852, %add3A_855], %broadcast_in_dim3A_128 : memref<1000x128xi32, #tpu.memory_space<vmem>>[vector<16xi32>, vector<16xi32>], vector<16xi32>,
    %get3A_856 = arith.constant 608 : index
    %get3A_857 = tpu.vector_load %arg5[%get3A_856] {strides = array<i32>} : memref<896xi32, #tpu.memory_space<vmem>>, vector<16xi32>,
    %add3A_858 = arith.constant 96 : i32
    %add3A_859 = vector.broadcast %add3A_858 : i32 to vector<16xi32>
    %add3A_860 = arith.addi %iota3A, %add3A_859 : vector<16xi32>
    tpu.vector_store_idx %arg6[%get3A_857, %add3A_860], %broadcast_in_dim3A_128 : memref<1000x128xi32, #tpu.memory_space<vmem>>[vector<16xi32>, vector<16xi32>], vector<16xi32>,
    %get3A_861 = arith.constant 624 : index
    %get3A_862 = tpu.vector_load %arg5[%get3A_861] {strides = array<i32>} : memref<896xi32, #tpu.memory_space<vmem>>, vector<16xi32>,
    %add3A_863 = arith.constant 112 : i32
    %add3A_864 = vector.broadcast %add3A_863 : i32 to vector<16xi32>
    %add3A_865 = arith.addi %iota3A, %add3A_864 : vector<16xi32>
    tpu.vector_store_idx %arg6[%get3A_862, %add3A_865], %broadcast_in_dim3A_128 : memref<1000x128xi32, #tpu.memory_space<vmem>>[vector<16xi32>, vector<16xi32>], vector<16xi32>,
    %get3A_866 = arith.constant 640 : index
    %get3A_867 = tpu.vector_load %arg5[%get3A_866] {strides = array<i32>} : memref<896xi32, #tpu.memory_space<vmem>>, vector<16xi32>,
    %add3A_868 = arith.constant 0 : i32
    %add3A_869 = vector.broadcast %add3A_868 : i32 to vector<16xi32>
    %add3A_870 = arith.addi %iota3A, %add3A_869 : vector<16xi32>
    tpu.vector_store_idx %arg6[%get3A_867, %add3A_870], %broadcast_in_dim3A_126 : memref<1000x128xi32, #tpu.memory_space<vmem>>[vector<16xi32>, vector<16xi32>], vector<16xi32>,
    %get3A_871 = arith.constant 656 : index
    %get3A_872 = tpu.vector_load %arg5[%get3A_871] {strides = array<i32>} : memref<896xi32, #tpu.memory_space<vmem>>, vector<16xi32>,
    %add3A_873 = arith.constant 16 : i32
    %add3A_874 = vector.broadcast %add3A_873 : i32 to vector<16xi32>
    %add3A_875 = arith.addi %iota3A, %add3A_874 : vector<16xi32>
    tpu.vector_store_idx %arg6[%get3A_872, %add3A_875], %broadcast_in_dim3A_126 : memref<1000x128xi32, #tpu.memory_space<vmem>>[vector<16xi32>, vector<16xi32>], vector<16xi32>,
    %get3A_876 = arith.constant 672 : index
    %get3A_877 = tpu.vector_load %arg5[%get3A_876] {strides = array<i32>} : memref<896xi32, #tpu.memory_space<vmem>>, vector<16xi32>,
    %add3A_878 = arith.constant 32 : i32
    %add3A_879 = vector.broadcast %add3A_878 : i32 to vector<16xi32>
    %add3A_880 = arith.addi %iota3A, %add3A_879 : vector<16xi32>
    tpu.vector_store_idx %arg6[%get3A_877, %add3A_880], %broadcast_in_dim3A_126 : memref<1000x128xi32, #tpu.memory_space<vmem>>[vector<16xi32>, vector<16xi32>], vector<16xi32>,
    %get3A_881 = arith.constant 688 : index
    %get3A_882 = tpu.vector_load %arg5[%get3A_881] {strides = array<i32>} : memref<896xi32, #tpu.memory_space<vmem>>, vector<16xi32>,
    %add3A_883 = arith.constant 48 : i32
    %add3A_884 = vector.broadcast %add3A_883 : i32 to vector<16xi32>
    %add3A_885 = arith.addi %iota3A, %add3A_884 : vector<16xi32>
    tpu.vector_store_idx %arg6[%get3A_882, %add3A_885], %broadcast_in_dim3A_126 : memref<1000x128xi32, #tpu.memory_space<vmem>>[vector<16xi32>, vector<16xi32>], vector<16xi32>,
    %get3A_886 = arith.constant 704 : index
    %get3A_887 = tpu.vector_load %arg5[%get3A_886] {strides = array<i32>} : memref<896xi32, #tpu.memory_space<vmem>>, vector<16xi32>,
    %add3A_888 = arith.constant 64 : i32
    %add3A_889 = vector.broadcast %add3A_888 : i32 to vector<16xi32>
    %add3A_890 = arith.addi %iota3A, %add3A_889 : vector<16xi32>
    tpu.vector_store_idx %arg6[%get3A_887, %add3A_890], %broadcast_in_dim3A_126 : memref<1000x128xi32, #tpu.memory_space<vmem>>[vector<16xi32>, vector<16xi32>], vector<16xi32>,
    %get3A_891 = arith.constant 720 : index
    %get3A_892 = tpu.vector_load %arg5[%get3A_891] {strides = array<i32>} : memref<896xi32, #tpu.memory_space<vmem>>, vector<16xi32>,
    %add3A_893 = arith.constant 80 : i32
    %add3A_894 = vector.broadcast %add3A_893 : i32 to vector<16xi32>
    %add3A_895 = arith.addi %iota3A, %add3A_894 : vector<16xi32>
    tpu.vector_store_idx %arg6[%get3A_892, %add3A_895], %broadcast_in_dim3A_126 : memref<1000x128xi32, #tpu.memory_space<vmem>>[vector<16xi32>, vector<16xi32>], vector<16xi32>,
    %get3A_896 = arith.constant 736 : index
    %get3A_897 = tpu.vector_load %arg5[%get3A_896] {strides = array<i32>} : memref<896xi32, #tpu.memory_space<vmem>>, vector<16xi32>,
    %add3A_898 = arith.constant 96 : i32
    %add3A_899 = vector.broadcast %add3A_898 : i32 to vector<16xi32>
    %add3A_900 = arith.addi %iota3A, %add3A_899 : vector<16xi32>
    tpu.vector_store_idx %arg6[%get3A_897, %add3A_900], %broadcast_in_dim3A_126 : memref<1000x128xi32, #tpu.memory_space<vmem>>[vector<16xi32>, vector<16xi32>], vector<16xi32>,
    %get3A_901 = arith.constant 752 : index
    %get3A_902 = tpu.vector_load %arg5[%get3A_901] {strides = array<i32>} : memref<896xi32, #tpu.memory_space<vmem>>, vector<16xi32>,
    %add3A_903 = arith.constant 112 : i32
    %add3A_904 = vector.broadcast %add3A_903 : i32 to vector<16xi32>
    %add3A_905 = arith.addi %iota3A, %add3A_904 : vector<16xi32>
    tpu.vector_store_idx %arg6[%get3A_902, %add3A_905], %broadcast_in_dim3A_126 : memref<1000x128xi32, #tpu.memory_space<vmem>>[vector<16xi32>, vector<16xi32>], vector<16xi32>,
    %mul3A_906 = arith.constant 128 : i32
    %mul3A_907 = arith.muli %select_n3A_816, %mul3A_906 : i32
    %dma_start3A_908 = arith.constant 0 : i32
    %dma_start3A_909 = tpu.memref_slice %arg4[%select_n3A_800, %dma_start3A_908, %mul3A_907] : memref<26x1000x1024xi32, #tpu.memory_space<hbm>> -> memref<1x1000x128xi32, #tpu.memory_space<hbm>>
    %dma_start3A_910 = tpu.memref_squeeze %dma_start3A_909 : memref<1x1000x128xi32, #tpu.memory_space<hbm>> -> memref<1000x128xi32, #tpu.memory_space<hbm>>
    %dma_start3A_911 = arith.constant 0 : i32
    %dma_start3A_912 = tpu.memref_slice %arg4[%select_n3A_800, %dma_start3A_911, %mul3A_907] : memref<26x1000x1024xi32, #tpu.memory_space<hbm>> -> memref<1x1000x128xi32, #tpu.memory_space<hbm>>
    %dma_start3A_913 = tpu.memref_squeeze %dma_start3A_912 : memref<1x1000x128xi32, #tpu.memory_space<hbm>> -> memref<1000x128xi32, #tpu.memory_space<hbm>>
    tpu.enqueue_dma source(%arg6 : memref<1000x128xi32, #tpu.memory_space<vmem>>) target(%dma_start3A_913 : memref<1000x128xi32, #tpu.memory_space<hbm>>) target_semaphore(%arg7 : memref<!tpu.dma_semaphore, #tpu.memory_space<semaphore_mem>>)
    %jit3A_914 = arith.constant 8 : i32
    %div3A_915 = arith.divsi %add3A_3, %jit3A_914 : i32
    %sign3A_916 = arith.constant 0 : i32
    %sign3A_917 = arith.cmpi sgt, %add3A_3, %sign3A_916 : i32
    %sign3A_918 = arith.extui %sign3A_917 : i1 to i32
    %sign3A_919 = arith.constant 0 : i32
    %sign3A_920 = arith.cmpi slt, %add3A_3, %sign3A_919 : i32
    %sign3A_921 = arith.extui %sign3A_920 : i1 to i32
    %sign3A_922 = arith.subi %sign3A_918, %sign3A_921 : i32
    %sign3A_923 = arith.constant 0 : i32
    %sign3A_924 = arith.cmpi sgt, %jit3A_914, %sign3A_923 : i32
    %sign3A_925 = arith.extui %sign3A_924 : i1 to i32
    %sign3A_926 = arith.constant 0 : i32
    %sign3A_927 = arith.cmpi slt, %jit3A_914, %sign3A_926 : i32
    %sign3A_928 = arith.extui %sign3A_927 : i1 to i32
    %sign3A_929 = arith.subi %sign3A_925, %sign3A_928 : i32
    %ne3A_930 = arith.cmpi ne, %sign3A_922, %sign3A_929 : i32
    %rem3A_931 = arith.remsi %add3A_3, %jit3A_914 : i32
    %ne3A_932 = arith.constant 0 : i32
    %ne3A_933 = arith.cmpi ne, %rem3A_931, %ne3A_932 : i32
    %and3A_934 = arith.andi %ne3A_930, %ne3A_933 : i1
    %sub3A_935 = arith.constant 1 : i32
    %sub3A_936 = arith.subi %div3A_915, %sub3A_935 : i32
    %select_n3A_937 = arith.select %and3A_934, %sub3A_936, %div3A_915 : i32
    %jit3A_938 = arith.constant 8 : i32
    %eq3A_939 = arith.constant 0 : i32
    %eq3A_940 = arith.cmpi eq, %jit3A_938, %eq3A_939 : i32
    %jit3A_941 = arith.constant 1 : i32
    %select_n3A_942 = arith.select %eq3A_940, %jit3A_941, %jit3A_938 : i32
    %rem3A_943 = arith.remsi %add3A_3, %select_n3A_942 : i32
    %ne3A_944 = arith.constant 0 : i32
    %ne3A_945 = arith.cmpi ne, %rem3A_943, %ne3A_944 : i32
    %lt3A_946 = arith.constant 0 : i32
    %lt3A_947 = arith.cmpi slt, %rem3A_943, %lt3A_946 : i32
    %lt3A_948 = arith.constant 0 : i32
    %lt3A_949 = arith.cmpi slt, %select_n3A_942, %lt3A_948 : i32
    %ne3A_950 = arith.xori %lt3A_947, %lt3A_949 : i1
    %and3A_951 = arith.andi %ne3A_950, %ne3A_945 : i1
    %add3A_952 = arith.addi %rem3A_943, %select_n3A_942 : i32
    %select_n3A_953 = arith.select %and3A_951, %add3A_952, %rem3A_943 : i32
    %dma_wait3A_954 = arith.constant 0 : i32
    %dma_wait3A_955 = arith.constant 0 : i32
    %dma_wait3A_956 = arith.constant 0 : i32
    %dma_wait3A_957 = tpu.memref_slice %arg4[%dma_wait3A_954, %dma_wait3A_955, %dma_wait3A_956] : memref<26x1000x1024xi32, #tpu.memory_space<hbm>> -> memref<1x1000x128xi32, #tpu.memory_space<hbm>>
    %dma_wait3A_958 = tpu.memref_squeeze %dma_wait3A_957 : memref<1x1000x128xi32, #tpu.memory_space<hbm>> -> memref<1000x128xi32, #tpu.memory_space<hbm>>
    %dma_wait3A_959 = arith.constant 0 : i32
    %dma_wait3A_960 = arith.constant 0 : i32
    %dma_wait3A_961 = tpu.memref_slice %arg4[%dma_wait3A_954, %dma_wait3A_959, %dma_wait3A_960] : memref<26x1000x1024xi32, #tpu.memory_space<hbm>> -> memref<1x1000x128xi32, #tpu.memory_space<hbm>>
    %dma_wait3A_962 = tpu.memref_squeeze %dma_wait3A_961 : memref<1x1000x128xi32, #tpu.memory_space<hbm>> -> memref<1000x128xi32, #tpu.memory_space<hbm>>
    tpu.wait_dma2 semaphore(%arg7 : memref<!tpu.dma_semaphore, #tpu.memory_space<semaphore_mem>>) src(%arg6 : memref<1000x128xi32, #tpu.memory_space<vmem>>) dst(%dma_wait3A_962 : memref<1000x128xi32, #tpu.memory_space<hbm>>)
    %get3A_963 = arith.constant 640 : index
    %get3A_964 = tpu.vector_load %arg5[%get3A_963] {strides = array<i32>} : memref<896xi32, #tpu.memory_space<vmem>>, vector<16xi32>,
    %add3A_965 = arith.constant 0 : i32
    %add3A_966 = vector.broadcast %add3A_965 : i32 to vector<16xi32>
    %add3A_967 = arith.addi %iota3A, %add3A_966 : vector<16xi32>
    tpu.vector_store_idx %arg6[%get3A_964, %add3A_967], %broadcast_in_dim3A_128 : memref<1000x128xi32, #tpu.memory_space<vmem>>[vector<16xi32>, vector<16xi32>], vector<16xi32>,
    %get3A_968 = arith.constant 656 : index
    %get3A_969 = tpu.vector_load %arg5[%get3A_968] {strides = array<i32>} : memref<896xi32, #tpu.memory_space<vmem>>, vector<16xi32>,
    %add3A_970 = arith.constant 16 : i32
    %add3A_971 = vector.broadcast %add3A_970 : i32 to vector<16xi32>
    %add3A_972 = arith.addi %iota3A, %add3A_971 : vector<16xi32>
    tpu.vector_store_idx %arg6[%get3A_969, %add3A_972], %broadcast_in_dim3A_128 : memref<1000x128xi32, #tpu.memory_space<vmem>>[vector<16xi32>, vector<16xi32>], vector<16xi32>,
    %get3A_973 = arith.constant 672 : index
    %get3A_974 = tpu.vector_load %arg5[%get3A_973] {strides = array<i32>} : memref<896xi32, #tpu.memory_space<vmem>>, vector<16xi32>,
    %add3A_975 = arith.constant 32 : i32
    %add3A_976 = vector.broadcast %add3A_975 : i32 to vector<16xi32>
    %add3A_977 = arith.addi %iota3A, %add3A_976 : vector<16xi32>
    tpu.vector_store_idx %arg6[%get3A_974, %add3A_977], %broadcast_in_dim3A_128 : memref<1000x128xi32, #tpu.memory_space<vmem>>[vector<16xi32>, vector<16xi32>], vector<16xi32>,
    %get3A_978 = arith.constant 688 : index
    %get3A_979 = tpu.vector_load %arg5[%get3A_978] {strides = array<i32>} : memref<896xi32, #tpu.memory_space<vmem>>, vector<16xi32>,
    %add3A_980 = arith.constant 48 : i32
    %add3A_981 = vector.broadcast %add3A_980 : i32 to vector<16xi32>
    %add3A_982 = arith.addi %iota3A, %add3A_981 : vector<16xi32>
    tpu.vector_store_idx %arg6[%get3A_979, %add3A_982], %broadcast_in_dim3A_128 : memref<1000x128xi32, #tpu.memory_space<vmem>>[vector<16xi32>, vector<16xi32>], vector<16xi32>,
    %get3A_983 = arith.constant 704 : index
    %get3A_984 = tpu.vector_load %arg5[%get3A_983] {strides = array<i32>} : memref<896xi32, #tpu.memory_space<vmem>>, vector<16xi32>,
    %add3A_985 = arith.constant 64 : i32
    %add3A_986 = vector.broadcast %add3A_985 : i32 to vector<16xi32>
    %add3A_987 = arith.addi %iota3A, %add3A_986 : vector<16xi32>
    tpu.vector_store_idx %arg6[%get3A_984, %add3A_987], %broadcast_in_dim3A_128 : memref<1000x128xi32, #tpu.memory_space<vmem>>[vector<16xi32>, vector<16xi32>], vector<16xi32>,
    %get3A_988 = arith.constant 720 : index
    %get3A_989 = tpu.vector_load %arg5[%get3A_988] {strides = array<i32>} : memref<896xi32, #tpu.memory_space<vmem>>, vector<16xi32>,
    %add3A_990 = arith.constant 80 : i32
    %add3A_991 = vector.broadcast %add3A_990 : i32 to vector<16xi32>
    %add3A_992 = arith.addi %iota3A, %add3A_991 : vector<16xi32>
    tpu.vector_store_idx %arg6[%get3A_989, %add3A_992], %broadcast_in_dim3A_128 : memref<1000x128xi32, #tpu.memory_space<vmem>>[vector<16xi32>, vector<16xi32>], vector<16xi32>,
    %get3A_993 = arith.constant 736 : index
    %get3A_994 = tpu.vector_load %arg5[%get3A_993] {strides = array<i32>} : memref<896xi32, #tpu.memory_space<vmem>>, vector<16xi32>,
    %add3A_995 = arith.constant 96 : i32
    %add3A_996 = vector.broadcast %add3A_995 : i32 to vector<16xi32>
    %add3A_997 = arith.addi %iota3A, %add3A_996 : vector<16xi32>
    tpu.vector_store_idx %arg6[%get3A_994, %add3A_997], %broadcast_in_dim3A_128 : memref<1000x128xi32, #tpu.memory_space<vmem>>[vector<16xi32>, vector<16xi32>], vector<16xi32>,
    %get3A_998 = arith.constant 752 : index
    %get3A_999 = tpu.vector_load %arg5[%get3A_998] {strides = array<i32>} : memref<896xi32, #tpu.memory_space<vmem>>, vector<16xi32>,
    %add3A_1000 = arith.constant 112 : i32
    %add3A_1001 = vector.broadcast %add3A_1000 : i32 to vector<16xi32>
    %add3A_1002 = arith.addi %iota3A, %add3A_1001 : vector<16xi32>
    tpu.vector_store_idx %arg6[%get3A_999, %add3A_1002], %broadcast_in_dim3A_128 : memref<1000x128xi32, #tpu.memory_space<vmem>>[vector<16xi32>, vector<16xi32>], vector<16xi32>,
    %not3A = arith.constant true
    %not3A_1003 = arith.xori %ge3A_129, %not3A : i1
    %convert_element_type3A = arith.extui %not3A_1003 : i1 to i32
    %cond3A = arith.constant 0 : i32
    %cond3A_1004 = arith.cmpi ne, %convert_element_type3A, %cond3A : i32
    scf.if %cond3A_1004 {
      %get3A_1016 = arith.constant 768 : index
      %get3A_1017 = tpu.vector_load %arg5[%get3A_1016] {strides = array<i32>} : memref<896xi32, #tpu.memory_space<vmem>>, vector<16xi32>,
      %ge3A_1018 = arith.constant 0 : i32
      %ge3A_1019 = vector.broadcast %ge3A_1018 : i32 to vector<16xi32>
      %ge3A_1020 = arith.cmpi sge, %get3A_1017, %ge3A_1019 : vector<16xi32>
      %lt3A_1021 = arith.constant 496 : i32
      %lt3A_1022 = vector.broadcast %lt3A_1021 : i32 to vector<16xi32>
      %lt3A_1023 = arith.cmpi slt, %get3A_1017, %lt3A_1022 : vector<16xi32>
      %and3A_1024 = arith.andi %ge3A_1020, %lt3A_1023 : vector<16xi1>
      %add3A_1025 = arith.constant 0 : i32
      %add3A_1026 = vector.broadcast %add3A_1025 : i32 to vector<16xi32>
      %add3A_1027 = arith.addi %iota3A, %add3A_1026 : vector<16xi32>
      tpu.vector_store_idx %arg6[%get3A_1017, %add3A_1027], %broadcast_in_dim3A_126 masked %and3A_1024 : memref<1000x128xi32, #tpu.memory_space<vmem>>[vector<16xi32>, vector<16xi32>], vector<16xi32>, vector<16xi1>
      %get3A_1028 = arith.constant 784 : index
      %get3A_1029 = tpu.vector_load %arg5[%get3A_1028] {strides = array<i32>} : memref<896xi32, #tpu.memory_space<vmem>>, vector<16xi32>,
      %ge3A_1030 = arith.constant 0 : i32
      %ge3A_1031 = vector.broadcast %ge3A_1030 : i32 to vector<16xi32>
      %ge3A_1032 = arith.cmpi sge, %get3A_1029, %ge3A_1031 : vector<16xi32>
      %lt3A_1033 = arith.constant 496 : i32
      %lt3A_1034 = vector.broadcast %lt3A_1033 : i32 to vector<16xi32>
      %lt3A_1035 = arith.cmpi slt, %get3A_1029, %lt3A_1034 : vector<16xi32>
      %and3A_1036 = arith.andi %ge3A_1032, %lt3A_1035 : vector<16xi1>
      %add3A_1037 = arith.constant 16 : i32
      %add3A_1038 = vector.broadcast %add3A_1037 : i32 to vector<16xi32>
      %add3A_1039 = arith.addi %iota3A, %add3A_1038 : vector<16xi32>
      tpu.vector_store_idx %arg6[%get3A_1029, %add3A_1039], %broadcast_in_dim3A_126 masked %and3A_1036 : memref<1000x128xi32, #tpu.memory_space<vmem>>[vector<16xi32>, vector<16xi32>], vector<16xi32>, vector<16xi1>
      %get3A_1040 = arith.constant 800 : index
      %get3A_1041 = tpu.vector_load %arg5[%get3A_1040] {strides = array<i32>} : memref<896xi32, #tpu.memory_space<vmem>>, vector<16xi32>,
      %ge3A_1042 = arith.constant 0 : i32
      %ge3A_1043 = vector.broadcast %ge3A_1042 : i32 to vector<16xi32>
      %ge3A_1044 = arith.cmpi sge, %get3A_1041, %ge3A_1043 : vector<16xi32>
      %lt3A_1045 = arith.constant 496 : i32
      %lt3A_1046 = vector.broadcast %lt3A_1045 : i32 to vector<16xi32>
      %lt3A_1047 = arith.cmpi slt, %get3A_1041, %lt3A_1046 : vector<16xi32>
      %and3A_1048 = arith.andi %ge3A_1044, %lt3A_1047 : vector<16xi1>
      %add3A_1049 = arith.constant 32 : i32
      %add3A_1050 = vector.broadcast %add3A_1049 : i32 to vector<16xi32>
      %add3A_1051 = arith.addi %iota3A, %add3A_1050 : vector<16xi32>
      tpu.vector_store_idx %arg6[%get3A_1041, %add3A_1051], %broadcast_in_dim3A_126 masked %and3A_1048 : memref<1000x128xi32, #tpu.memory_space<vmem>>[vector<16xi32>, vector<16xi32>], vector<16xi32>, vector<16xi1>
      %get3A_1052 = arith.constant 816 : index
      %get3A_1053 = tpu.vector_load %arg5[%get3A_1052] {strides = array<i32>} : memref<896xi32, #tpu.memory_space<vmem>>, vector<16xi32>,
      %ge3A_1054 = arith.constant 0 : i32
      %ge3A_1055 = vector.broadcast %ge3A_1054 : i32 to vector<16xi32>
      %ge3A_1056 = arith.cmpi sge, %get3A_1053, %ge3A_1055 : vector<16xi32>
      %lt3A_1057 = arith.constant 496 : i32
      %lt3A_1058 = vector.broadcast %lt3A_1057 : i32 to vector<16xi32>
      %lt3A_1059 = arith.cmpi slt, %get3A_1053, %lt3A_1058 : vector<16xi32>
      %and3A_1060 = arith.andi %ge3A_1056, %lt3A_1059 : vector<16xi1>
      %add3A_1061 = arith.constant 48 : i32
      %add3A_1062 = vector.broadcast %add3A_1061 : i32 to vector<16xi32>
      %add3A_1063 = arith.addi %iota3A, %add3A_1062 : vector<16xi32>
      tpu.vector_store_idx %arg6[%get3A_1053, %add3A_1063], %broadcast_in_dim3A_126 masked %and3A_1060 : memref<1000x128xi32, #tpu.memory_space<vmem>>[vector<16xi32>, vector<16xi32>], vector<16xi32>, vector<16xi1>
      %get3A_1064 = arith.constant 832 : index
      %get3A_1065 = tpu.vector_load %arg5[%get3A_1064] {strides = array<i32>} : memref<896xi32, #tpu.memory_space<vmem>>, vector<16xi32>,
      %ge3A_1066 = arith.constant 0 : i32
      %ge3A_1067 = vector.broadcast %ge3A_1066 : i32 to vector<16xi32>
      %ge3A_1068 = arith.cmpi sge, %get3A_1065, %ge3A_1067 : vector<16xi32>
      %lt3A_1069 = arith.constant 496 : i32
      %lt3A_1070 = vector.broadcast %lt3A_1069 : i32 to vector<16xi32>
      %lt3A_1071 = arith.cmpi slt, %get3A_1065, %lt3A_1070 : vector<16xi32>
      %and3A_1072 = arith.andi %ge3A_1068, %lt3A_1071 : vector<16xi1>
      %add3A_1073 = arith.constant 64 : i32
      %add3A_1074 = vector.broadcast %add3A_1073 : i32 to vector<16xi32>
      %add3A_1075 = arith.addi %iota3A, %add3A_1074 : vector<16xi32>
      tpu.vector_store_idx %arg6[%get3A_1065, %add3A_1075], %broadcast_in_dim3A_126 masked %and3A_1072 : memref<1000x128xi32, #tpu.memory_space<vmem>>[vector<16xi32>, vector<16xi32>], vector<16xi32>, vector<16xi1>
      %get3A_1076 = arith.constant 848 : index
      %get3A_1077 = tpu.vector_load %arg5[%get3A_1076] {strides = array<i32>} : memref<896xi32, #tpu.memory_space<vmem>>, vector<16xi32>,
      %ge3A_1078 = arith.constant 0 : i32
      %ge3A_1079 = vector.broadcast %ge3A_1078 : i32 to vector<16xi32>
      %ge3A_1080 = arith.cmpi sge, %get3A_1077, %ge3A_1079 : vector<16xi32>
      %lt3A_1081 = arith.constant 496 : i32
      %lt3A_1082 = vector.broadcast %lt3A_1081 : i32 to vector<16xi32>
      %lt3A_1083 = arith.cmpi slt, %get3A_1077, %lt3A_1082 : vector<16xi32>
      %and3A_1084 = arith.andi %ge3A_1080, %lt3A_1083 : vector<16xi1>
      %add3A_1085 = arith.constant 80 : i32
      %add3A_1086 = vector.broadcast %add3A_1085 : i32 to vector<16xi32>
      %add3A_1087 = arith.addi %iota3A, %add3A_1086 : vector<16xi32>
      tpu.vector_store_idx %arg6[%get3A_1077, %add3A_1087], %broadcast_in_dim3A_126 masked %and3A_1084 : memref<1000x128xi32, #tpu.memory_space<vmem>>[vector<16xi32>, vector<16xi32>], vector<16xi32>, vector<16xi1>
      %get3A_1088 = arith.constant 864 : index
      %get3A_1089 = tpu.vector_load %arg5[%get3A_1088] {strides = array<i32>} : memref<896xi32, #tpu.memory_space<vmem>>, vector<16xi32>,
      %ge3A_1090 = arith.constant 0 : i32
      %ge3A_1091 = vector.broadcast %ge3A_1090 : i32 to vector<16xi32>
      %ge3A_1092 = arith.cmpi sge, %get3A_1089, %ge3A_1091 : vector<16xi32>
      %lt3A_1093 = arith.constant 496 : i32
      %lt3A_1094 = vector.broadcast %lt3A_1093 : i32 to vector<16xi32>
      %lt3A_1095 = arith.cmpi slt, %get3A_1089, %lt3A_1094 : vector<16xi32>
      %and3A_1096 = arith.andi %ge3A_1092, %lt3A_1095 : vector<16xi1>
      %add3A_1097 = arith.constant 96 : i32
      %add3A_1098 = vector.broadcast %add3A_1097 : i32 to vector<16xi32>
      %add3A_1099 = arith.addi %iota3A, %add3A_1098 : vector<16xi32>
      tpu.vector_store_idx %arg6[%get3A_1089, %add3A_1099], %broadcast_in_dim3A_126 masked %and3A_1096 : memref<1000x128xi32, #tpu.memory_space<vmem>>[vector<16xi32>, vector<16xi32>], vector<16xi32>, vector<16xi1>
      %get3A_1100 = arith.constant 880 : index
      %get3A_1101 = tpu.vector_load %arg5[%get3A_1100] {strides = array<i32>} : memref<896xi32, #tpu.memory_space<vmem>>, vector<16xi32>,
      %ge3A_1102 = arith.constant 0 : i32
      %ge3A_1103 = vector.broadcast %ge3A_1102 : i32 to vector<16xi32>
      %ge3A_1104 = arith.cmpi sge, %get3A_1101, %ge3A_1103 : vector<16xi32>
      %lt3A_1105 = arith.constant 496 : i32
      %lt3A_1106 = vector.broadcast %lt3A_1105 : i32 to vector<16xi32>
      %lt3A_1107 = arith.cmpi slt, %get3A_1101, %lt3A_1106 : vector<16xi32>
      %and3A_1108 = arith.andi %ge3A_1104, %lt3A_1107 : vector<16xi1>
      %add3A_1109 = arith.constant 112 : i32
      %add3A_1110 = vector.broadcast %add3A_1109 : i32 to vector<16xi32>
      %add3A_1111 = arith.addi %iota3A, %add3A_1110 : vector<16xi32>
      tpu.vector_store_idx %arg6[%get3A_1101, %add3A_1111], %broadcast_in_dim3A_126 masked %and3A_1108 : memref<1000x128xi32, #tpu.memory_space<vmem>>[vector<16xi32>, vector<16xi32>], vector<16xi32>, vector<16xi1>
      %mul3A_1112 = arith.constant 128 : i32
      %mul3A_1113 = arith.muli %select_n3A_953, %mul3A_1112 : i32
      %dma_start3A_1114 = arith.constant 0 : i32
      %dma_start3A_1115 = arith.constant 0 : i32
      %dma_start3A_1116 = tpu.memref_slice %arg6[%dma_start3A_1114, %dma_start3A_1115] : memref<1000x128xi32, #tpu.memory_space<vmem>> -> memref<496x128xi32, #tpu.memory_space<vmem>>
      %dma_start3A_1117 = arith.constant 0 : i32
      %dma_start3A_1118 = tpu.memref_slice %arg4[%select_n3A_937, %dma_start3A_1117, %mul3A_1113] : memref<26x1000x1024xi32, #tpu.memory_space<hbm>> -> memref<1x496x128xi32, #tpu.memory_space<hbm>>
      %dma_start3A_1119 = tpu.memref_squeeze %dma_start3A_1118 : memref<1x496x128xi32, #tpu.memory_space<hbm>> -> memref<496x128xi32, #tpu.memory_space<hbm>>
      %dma_start3A_1120 = arith.constant 0 : i32
      %dma_start3A_1121 = tpu.memref_slice %arg4[%select_n3A_937, %dma_start3A_1120, %mul3A_1113] : memref<26x1000x1024xi32, #tpu.memory_space<hbm>> -> memref<1x496x128xi32, #tpu.memory_space<hbm>>
      %dma_start3A_1122 = tpu.memref_squeeze %dma_start3A_1121 : memref<1x496x128xi32, #tpu.memory_space<hbm>> -> memref<496x128xi32, #tpu.memory_space<hbm>>
      %dma_start3A_1123 = arith.constant 0 : i32
      %dma_start3A_1124 = arith.constant 0 : i32
      %dma_start3A_1125 = tpu.memref_slice %arg6[%dma_start3A_1123, %dma_start3A_1124] : memref<1000x128xi32, #tpu.memory_space<vmem>> -> memref<496x128xi32, #tpu.memory_space<vmem>>
      tpu.enqueue_dma source(%dma_start3A_1125 : memref<496x128xi32, #tpu.memory_space<vmem>>) target(%dma_start3A_1122 : memref<496x128xi32, #tpu.memory_space<hbm>>) target_semaphore(%arg7 : memref<!tpu.dma_semaphore, #tpu.memory_space<semaphore_mem>>)
    } else {
    }
    %convert_element_type3A_1005 = arith.extui %ge3A_129 : i1 to i32
    %cond3A_1006 = arith.constant 0 : i32
    %cond3A_1007 = arith.cmpi ne, %convert_element_type3A_1005, %cond3A_1006 : i32
    scf.if %cond3A_1007 {
      %get3A_1016 = arith.constant 768 : index
      %get3A_1017 = tpu.vector_load %arg5[%get3A_1016] {strides = array<i32>} : memref<896xi32, #tpu.memory_space<vmem>>, vector<16xi32>,
      %ge3A_1018 = arith.constant 496 : i32
      %ge3A_1019 = vector.broadcast %ge3A_1018 : i32 to vector<16xi32>
      %ge3A_1020 = arith.cmpi sge, %get3A_1017, %ge3A_1019 : vector<16xi32>
      %lt3A_1021 = arith.constant 1000 : i32
      %lt3A_1022 = vector.broadcast %lt3A_1021 : i32 to vector<16xi32>
      %lt3A_1023 = arith.cmpi slt, %get3A_1017, %lt3A_1022 : vector<16xi32>
      %and3A_1024 = arith.andi %ge3A_1020, %lt3A_1023 : vector<16xi1>
      %add3A_1025 = arith.constant 0 : i32
      %add3A_1026 = vector.broadcast %add3A_1025 : i32 to vector<16xi32>
      %add3A_1027 = arith.addi %iota3A, %add3A_1026 : vector<16xi32>
      tpu.vector_store_idx %arg6[%get3A_1017, %add3A_1027], %broadcast_in_dim3A_126 masked %and3A_1024 : memref<1000x128xi32, #tpu.memory_space<vmem>>[vector<16xi32>, vector<16xi32>], vector<16xi32>, vector<16xi1>
      %get3A_1028 = arith.constant 784 : index
      %get3A_1029 = tpu.vector_load %arg5[%get3A_1028] {strides = array<i32>} : memref<896xi32, #tpu.memory_space<vmem>>, vector<16xi32>,
      %ge3A_1030 = arith.constant 496 : i32
      %ge3A_1031 = vector.broadcast %ge3A_1030 : i32 to vector<16xi32>
      %ge3A_1032 = arith.cmpi sge, %get3A_1029, %ge3A_1031 : vector<16xi32>
      %lt3A_1033 = arith.constant 1000 : i32
      %lt3A_1034 = vector.broadcast %lt3A_1033 : i32 to vector<16xi32>
      %lt3A_1035 = arith.cmpi slt, %get3A_1029, %lt3A_1034 : vector<16xi32>
      %and3A_1036 = arith.andi %ge3A_1032, %lt3A_1035 : vector<16xi1>
      %add3A_1037 = arith.constant 16 : i32
      %add3A_1038 = vector.broadcast %add3A_1037 : i32 to vector<16xi32>
      %add3A_1039 = arith.addi %iota3A, %add3A_1038 : vector<16xi32>
      tpu.vector_store_idx %arg6[%get3A_1029, %add3A_1039], %broadcast_in_dim3A_126 masked %and3A_1036 : memref<1000x128xi32, #tpu.memory_space<vmem>>[vector<16xi32>, vector<16xi32>], vector<16xi32>, vector<16xi1>
      %get3A_1040 = arith.constant 800 : index
      %get3A_1041 = tpu.vector_load %arg5[%get3A_1040] {strides = array<i32>} : memref<896xi32, #tpu.memory_space<vmem>>, vector<16xi32>,
      %ge3A_1042 = arith.constant 496 : i32
      %ge3A_1043 = vector.broadcast %ge3A_1042 : i32 to vector<16xi32>
      %ge3A_1044 = arith.cmpi sge, %get3A_1041, %ge3A_1043 : vector<16xi32>
      %lt3A_1045 = arith.constant 1000 : i32
      %lt3A_1046 = vector.broadcast %lt3A_1045 : i32 to vector<16xi32>
      %lt3A_1047 = arith.cmpi slt, %get3A_1041, %lt3A_1046 : vector<16xi32>
      %and3A_1048 = arith.andi %ge3A_1044, %lt3A_1047 : vector<16xi1>
      %add3A_1049 = arith.constant 32 : i32
      %add3A_1050 = vector.broadcast %add3A_1049 : i32 to vector<16xi32>
      %add3A_1051 = arith.addi %iota3A, %add3A_1050 : vector<16xi32>
      tpu.vector_store_idx %arg6[%get3A_1041, %add3A_1051], %broadcast_in_dim3A_126 masked %and3A_1048 : memref<1000x128xi32, #tpu.memory_space<vmem>>[vector<16xi32>, vector<16xi32>], vector<16xi32>, vector<16xi1>
      %get3A_1052 = arith.constant 816 : index
      %get3A_1053 = tpu.vector_load %arg5[%get3A_1052] {strides = array<i32>} : memref<896xi32, #tpu.memory_space<vmem>>, vector<16xi32>,
      %ge3A_1054 = arith.constant 496 : i32
      %ge3A_1055 = vector.broadcast %ge3A_1054 : i32 to vector<16xi32>
      %ge3A_1056 = arith.cmpi sge, %get3A_1053, %ge3A_1055 : vector<16xi32>
      %lt3A_1057 = arith.constant 1000 : i32
      %lt3A_1058 = vector.broadcast %lt3A_1057 : i32 to vector<16xi32>
      %lt3A_1059 = arith.cmpi slt, %get3A_1053, %lt3A_1058 : vector<16xi32>
      %and3A_1060 = arith.andi %ge3A_1056, %lt3A_1059 : vector<16xi1>
      %add3A_1061 = arith.constant 48 : i32
      %add3A_1062 = vector.broadcast %add3A_1061 : i32 to vector<16xi32>
      %add3A_1063 = arith.addi %iota3A, %add3A_1062 : vector<16xi32>
      tpu.vector_store_idx %arg6[%get3A_1053, %add3A_1063], %broadcast_in_dim3A_126 masked %and3A_1060 : memref<1000x128xi32, #tpu.memory_space<vmem>>[vector<16xi32>, vector<16xi32>], vector<16xi32>, vector<16xi1>
      %get3A_1064 = arith.constant 832 : index
      %get3A_1065 = tpu.vector_load %arg5[%get3A_1064] {strides = array<i32>} : memref<896xi32, #tpu.memory_space<vmem>>, vector<16xi32>,
      %ge3A_1066 = arith.constant 496 : i32
      %ge3A_1067 = vector.broadcast %ge3A_1066 : i32 to vector<16xi32>
      %ge3A_1068 = arith.cmpi sge, %get3A_1065, %ge3A_1067 : vector<16xi32>
      %lt3A_1069 = arith.constant 1000 : i32
      %lt3A_1070 = vector.broadcast %lt3A_1069 : i32 to vector<16xi32>
      %lt3A_1071 = arith.cmpi slt, %get3A_1065, %lt3A_1070 : vector<16xi32>
      %and3A_1072 = arith.andi %ge3A_1068, %lt3A_1071 : vector<16xi1>
      %add3A_1073 = arith.constant 64 : i32
      %add3A_1074 = vector.broadcast %add3A_1073 : i32 to vector<16xi32>
      %add3A_1075 = arith.addi %iota3A, %add3A_1074 : vector<16xi32>
      tpu.vector_store_idx %arg6[%get3A_1065, %add3A_1075], %broadcast_in_dim3A_126 masked %and3A_1072 : memref<1000x128xi32, #tpu.memory_space<vmem>>[vector<16xi32>, vector<16xi32>], vector<16xi32>, vector<16xi1>
      %get3A_1076 = arith.constant 848 : index
      %get3A_1077 = tpu.vector_load %arg5[%get3A_1076] {strides = array<i32>} : memref<896xi32, #tpu.memory_space<vmem>>, vector<16xi32>,
      %ge3A_1078 = arith.constant 496 : i32
      %ge3A_1079 = vector.broadcast %ge3A_1078 : i32 to vector<16xi32>
      %ge3A_1080 = arith.cmpi sge, %get3A_1077, %ge3A_1079 : vector<16xi32>
      %lt3A_1081 = arith.constant 1000 : i32
      %lt3A_1082 = vector.broadcast %lt3A_1081 : i32 to vector<16xi32>
      %lt3A_1083 = arith.cmpi slt, %get3A_1077, %lt3A_1082 : vector<16xi32>
      %and3A_1084 = arith.andi %ge3A_1080, %lt3A_1083 : vector<16xi1>
      %add3A_1085 = arith.constant 80 : i32
      %add3A_1086 = vector.broadcast %add3A_1085 : i32 to vector<16xi32>
      %add3A_1087 = arith.addi %iota3A, %add3A_1086 : vector<16xi32>
      tpu.vector_store_idx %arg6[%get3A_1077, %add3A_1087], %broadcast_in_dim3A_126 masked %and3A_1084 : memref<1000x128xi32, #tpu.memory_space<vmem>>[vector<16xi32>, vector<16xi32>], vector<16xi32>, vector<16xi1>
      %get3A_1088 = arith.constant 864 : index
      %get3A_1089 = tpu.vector_load %arg5[%get3A_1088] {strides = array<i32>} : memref<896xi32, #tpu.memory_space<vmem>>, vector<16xi32>,
      %ge3A_1090 = arith.constant 496 : i32
      %ge3A_1091 = vector.broadcast %ge3A_1090 : i32 to vector<16xi32>
      %ge3A_1092 = arith.cmpi sge, %get3A_1089, %ge3A_1091 : vector<16xi32>
      %lt3A_1093 = arith.constant 1000 : i32
      %lt3A_1094 = vector.broadcast %lt3A_1093 : i32 to vector<16xi32>
      %lt3A_1095 = arith.cmpi slt, %get3A_1089, %lt3A_1094 : vector<16xi32>
      %and3A_1096 = arith.andi %ge3A_1092, %lt3A_1095 : vector<16xi1>
      %add3A_1097 = arith.constant 96 : i32
      %add3A_1098 = vector.broadcast %add3A_1097 : i32 to vector<16xi32>
      %add3A_1099 = arith.addi %iota3A, %add3A_1098 : vector<16xi32>
      tpu.vector_store_idx %arg6[%get3A_1089, %add3A_1099], %broadcast_in_dim3A_126 masked %and3A_1096 : memref<1000x128xi32, #tpu.memory_space<vmem>>[vector<16xi32>, vector<16xi32>], vector<16xi32>, vector<16xi1>
      %get3A_1100 = arith.constant 880 : index
      %get3A_1101 = tpu.vector_load %arg5[%get3A_1100] {strides = array<i32>} : memref<896xi32, #tpu.memory_space<vmem>>, vector<16xi32>,
      %ge3A_1102 = arith.constant 496 : i32
      %ge3A_1103 = vector.broadcast %ge3A_1102 : i32 to vector<16xi32>
      %ge3A_1104 = arith.cmpi sge, %get3A_1101, %ge3A_1103 : vector<16xi32>
      %lt3A_1105 = arith.constant 1000 : i32
      %lt3A_1106 = vector.broadcast %lt3A_1105 : i32 to vector<16xi32>
      %lt3A_1107 = arith.cmpi slt, %get3A_1101, %lt3A_1106 : vector<16xi32>
      %and3A_1108 = arith.andi %ge3A_1104, %lt3A_1107 : vector<16xi1>
      %add3A_1109 = arith.constant 112 : i32
      %add3A_1110 = vector.broadcast %add3A_1109 : i32 to vector<16xi32>
      %add3A_1111 = arith.addi %iota3A, %add3A_1110 : vector<16xi32>
      tpu.vector_store_idx %arg6[%get3A_1101, %add3A_1111], %broadcast_in_dim3A_126 masked %and3A_1108 : memref<1000x128xi32, #tpu.memory_space<vmem>>[vector<16xi32>, vector<16xi32>], vector<16xi32>, vector<16xi1>
      %mul3A_1112 = arith.constant 128 : i32
      %mul3A_1113 = arith.muli %select_n3A_953, %mul3A_1112 : i32
      %dma_start3A_1114 = arith.constant 496 : i32
      %dma_start3A_1115 = arith.constant 0 : i32
      %dma_start3A_1116 = tpu.memref_slice %arg6[%dma_start3A_1114, %dma_start3A_1115] : memref<1000x128xi32, #tpu.memory_space<vmem>> -> memref<504x128xi32, #tpu.memory_space<vmem>>
      %dma_start3A_1117 = arith.constant 496 : i32
      %dma_start3A_1118 = tpu.memref_slice %arg4[%select_n3A_937, %dma_start3A_1117, %mul3A_1113] : memref<26x1000x1024xi32, #tpu.memory_space<hbm>> -> memref<1x504x128xi32, #tpu.memory_space<hbm>>
      %dma_start3A_1119 = tpu.memref_squeeze %dma_start3A_1118 : memref<1x504x128xi32, #tpu.memory_space<hbm>> -> memref<504x128xi32, #tpu.memory_space<hbm>>
      %dma_start3A_1120 = arith.constant 496 : i32
      %dma_start3A_1121 = tpu.memref_slice %arg4[%select_n3A_937, %dma_start3A_1120, %mul3A_1113] : memref<26x1000x1024xi32, #tpu.memory_space<hbm>> -> memref<1x504x128xi32, #tpu.memory_space<hbm>>
      %dma_start3A_1122 = tpu.memref_squeeze %dma_start3A_1121 : memref<1x504x128xi32, #tpu.memory_space<hbm>> -> memref<504x128xi32, #tpu.memory_space<hbm>>
      %dma_start3A_1123 = arith.constant 496 : i32
      %dma_start3A_1124 = arith.constant 0 : i32
      %dma_start3A_1125 = tpu.memref_slice %arg6[%dma_start3A_1123, %dma_start3A_1124] : memref<1000x128xi32, #tpu.memory_space<vmem>> -> memref<504x128xi32, #tpu.memory_space<vmem>>
      tpu.enqueue_dma source(%dma_start3A_1125 : memref<504x128xi32, #tpu.memory_space<vmem>>) target(%dma_start3A_1122 : memref<504x128xi32, #tpu.memory_space<hbm>>) target_semaphore(%arg7 : memref<!tpu.dma_semaphore, #tpu.memory_space<semaphore_mem>>)
    } else {
    }
    %not3A_1008 = arith.constant true
    %not3A_1009 = arith.xori %ge3A_129, %not3A_1008 : i1
    %convert_element_type3A_1010 = arith.extui %not3A_1009 : i1 to i32
    %cond3A_1011 = arith.constant 0 : i32
    %cond3A_1012 = arith.cmpi ne, %convert_element_type3A_1010, %cond3A_1011 : i32
    scf.if %cond3A_1012 {
      %dma_wait3A_1016 = arith.constant 0 : i32
      %dma_wait3A_1017 = arith.constant 0 : i32
      %dma_wait3A_1018 = arith.constant 0 : i32
      %dma_wait3A_1019 = tpu.memref_slice %arg6[%dma_wait3A_1017, %dma_wait3A_1018] : memref<1000x128xi32, #tpu.memory_space<vmem>> -> memref<496x128xi32, #tpu.memory_space<vmem>>
      %dma_wait3A_1020 = arith.constant 0 : i32
      %dma_wait3A_1021 = arith.constant 0 : i32
      %dma_wait3A_1022 = tpu.memref_slice %arg4[%dma_wait3A_1016, %dma_wait3A_1020, %dma_wait3A_1021] : memref<26x1000x1024xi32, #tpu.memory_space<hbm>> -> memref<1x496x128xi32, #tpu.memory_space<hbm>>
      %dma_wait3A_1023 = tpu.memref_squeeze %dma_wait3A_1022 : memref<1x496x128xi32, #tpu.memory_space<hbm>> -> memref<496x128xi32, #tpu.memory_space<hbm>>
      %dma_wait3A_1024 = arith.constant 0 : i32
      %dma_wait3A_1025 = arith.constant 0 : i32
      %dma_wait3A_1026 = tpu.memref_slice %arg4[%dma_wait3A_1016, %dma_wait3A_1024, %dma_wait3A_1025] : memref<26x1000x1024xi32, #tpu.memory_space<hbm>> -> memref<1x496x128xi32, #tpu.memory_space<hbm>>
      %dma_wait3A_1027 = tpu.memref_squeeze %dma_wait3A_1026 : memref<1x496x128xi32, #tpu.memory_space<hbm>> -> memref<496x128xi32, #tpu.memory_space<hbm>>
      %dma_wait3A_1028 = arith.constant 0 : i32
      %dma_wait3A_1029 = arith.constant 0 : i32
      %dma_wait3A_1030 = tpu.memref_slice %arg6[%dma_wait3A_1028, %dma_wait3A_1029] : memref<1000x128xi32, #tpu.memory_space<vmem>> -> memref<496x128xi32, #tpu.memory_space<vmem>>
      tpu.wait_dma2 semaphore(%arg7 : memref<!tpu.dma_semaphore, #tpu.memory_space<semaphore_mem>>) src(%dma_wait3A_1030 : memref<496x128xi32, #tpu.memory_space<vmem>>) dst(%dma_wait3A_1027 : memref<496x128xi32, #tpu.memory_space<hbm>>)
    } else {
    }
    %convert_element_type3A_1013 = arith.extui %ge3A_129 : i1 to i32
    %cond3A_1014 = arith.constant 0 : i32
    %cond3A_1015 = arith.cmpi ne, %convert_element_type3A_1013, %cond3A_1014 : i32
    scf.if %cond3A_1015 {
      %dma_wait3A_1016 = arith.constant 0 : i32
      %dma_wait3A_1017 = arith.constant 496 : i32
      %dma_wait3A_1018 = arith.constant 0 : i32
      %dma_wait3A_1019 = tpu.memref_slice %arg6[%dma_wait3A_1017, %dma_wait3A_1018] : memref<1000x128xi32, #tpu.memory_space<vmem>> -> memref<504x128xi32, #tpu.memory_space<vmem>>
      %dma_wait3A_1020 = arith.constant 496 : i32
      %dma_wait3A_1021 = arith.constant 0 : i32
      %dma_wait3A_1022 = tpu.memref_slice %arg4[%dma_wait3A_1016, %dma_wait3A_1020, %dma_wait3A_1021] : memref<26x1000x1024xi32, #tpu.memory_space<hbm>> -> memref<1x504x128xi32, #tpu.memory_space<hbm>>
      %dma_wait3A_1023 = tpu.memref_squeeze %dma_wait3A_1022 : memref<1x504x128xi32, #tpu.memory_space<hbm>> -> memref<504x128xi32, #tpu.memory_space<hbm>>
      %dma_wait3A_1024 = arith.constant 496 : i32
      %dma_wait3A_1025 = arith.constant 0 : i32
      %dma_wait3A_1026 = tpu.memref_slice %arg4[%dma_wait3A_1016, %dma_wait3A_1024, %dma_wait3A_1025] : memref<26x1000x1024xi32, #tpu.memory_space<hbm>> -> memref<1x504x128xi32, #tpu.memory_space<hbm>>
      %dma_wait3A_1027 = tpu.memref_squeeze %dma_wait3A_1026 : memref<1x504x128xi32, #tpu.memory_space<hbm>> -> memref<504x128xi32, #tpu.memory_space<hbm>>
      %dma_wait3A_1028 = arith.constant 496 : i32
      %dma_wait3A_1029 = arith.constant 0 : i32
      %dma_wait3A_1030 = tpu.memref_slice %arg6[%dma_wait3A_1028, %dma_wait3A_1029] : memref<1000x128xi32, #tpu.memory_space<vmem>> -> memref<504x128xi32, #tpu.memory_space<vmem>>
      tpu.wait_dma2 semaphore(%arg7 : memref<!tpu.dma_semaphore, #tpu.memory_space<semaphore_mem>>) src(%dma_wait3A_1030 : memref<504x128xi32, #tpu.memory_space<vmem>>) dst(%dma_wait3A_1027 : memref<504x128xi32, #tpu.memory_space<hbm>>)
    } else {
    }
    return
  }
}

</mosaic_0001>

<sc_bundles>
// kernel: kernel.3.cloned.1.call-start
scs
__scs_entry_jumppad:
0x0: {  	(pc) =	sbr.rel $0x88, $3  }
0x1: {  	(tag) =	ssettag $0x0;
	lr =	simm.s32 $0x1  }
0x2: {  	[smem:$0x3FA0] =	sst lr;
	_ =	strace $0xD0000000  }
0x3: {  	_ = 	snop  }
0x4: {  	_ = 	snop  }
0x5: {  	_ = 	snop  }
0x6: {  	_ = 	snop  }
0x7: {  	_ = 	snop  }
__scs_overlays_trampoline_lowered:
0x8: {  	[smem:$0x3FAF] =	sst s0  }
0x9: {  	[smem:$0x3FB0] =	sst s1  }
0xa: {  	[smem:$0x3FB1] =	sst s2  }
0xb: {  	[smem:$0x3FB2] =	sst s3  }
0xc: {  	[smem:$0x3FB3] =	sst s4  }
0xd: {  	[smem:$0x3FB4] =	sst s5  }
0xe: {  	[smem:$0x3FB5] =	sst s6  }
0xf: {  	[smem:$0x3FB6] =	sst s7  }
0x10: {  	[smem:$0x3FB7] =	sst s8  }
0x11: {  	[smem:$0x3FB8] =	sst s9;
	s0 =	simm.s32 @!p0 $0x0  }
0x12: {  	s1 =	sld [smem:$0x3F9E];
	s0 =	simm.s32 @p0 $0x1  }
0x13: {  	[smem:$0x3FB9] =	sst s0;
	s0 =	simm.s32 @!p1 $0x0  }
0x14: {  	s2 =	sld [smem:$0x3F9D];
	s0 =	simm.s32 @p1 $0x1  }
0x15: {  	[smem:$0x3FBA] =	sst s0;
	s0 =	simm.s32 @!p2 $0x0  }
0x16: {  	s3 =	sld [smem:$0x3FDB];
	s0 =	simm.s32 @p2 $0x1  }
0x17: {  	s4 =	simm.s32 $0x1BF5;
	[smem:$0x3FBC] =	sst s0  }
0x18: {  	s0 =	sld [smem:$0x3F9F];
	_ =	swait.ge [sflag:s4], $0x0  }
0x19: {  	s7 =	sld [smem:$0x3FA0]  }
0x1a: {  	s8 =	sadd.s32 $0xFFFFE003, lr  }
0x1b: {  	s9 =	sadd.s32 $0xFFFFFEF7, lr;
	s5 =	simm.s32 $0xFFFFFFFF;
	p2 =	slt.u32 s8, $0xFFFFF086  }
0x1c: {  	p1 =	slt.u32 s9, $0xF7A;
	s5 =	simm.s32 @!p2 $0x0  }
0x1d: {  	s5 =	simm.s32 @p1 $0x1;
	p0 =	seq.s32 s7, s2  }
0x1e: {  	s7 =	smul.u32 @!p0 $0xF7A, s2;
	p2 =	seq.s32 @!p0 s5, $0x0  }
0x1f: {  	s9 =	smul.u32 $0xF7A, s1;
	s8 =	simm.s32 @!p0 $0x1BF5;
	p2 =	por !p2, p0  }
0x20: {  	[sflag:s8] =	ssyncset.s32 @!p0 $0xFFFFF086;
	s6 =	sadd.s32 @!p0 s3, s7;
	s7 =	simm.s32 @!p0 $0x108  }
0x21: {  	s3 =	sadd.s32 s3, s9;
	s6 =	sadd.s32 @!p0 $0x88, s6;
	s7 =	simm.s32 @p2 $0x1082  }
0x22: {  	[simem:s7], [sflag:s8] =	dma.local @!p0 [hbm:s6], $0xF7A  }
0x23: {  	s9 =	sor.u32 $0xD0000000, s2;
	s6 =	simm.s32 $0x108;
	_ =	swait.ge @!p0 [sflag:s8], $0x0  }
0x24: {  	s3 =	sadd.s32 $0x88, s3;
	s6 =	simm.s32 @!p1 $0x1082;
	[sflag:s4] =	ssyncset.s32 $0xFFFFF086  }
0x25: {  	[simem:s6], [sflag:s4] =	dma.local [hbm:s3], $0xF7A  }
0x26: {  	[smem:$0x3FA0] =	sst s1;
	(tag) =	ssettag s2;
	_ =	strace s9  }
0x27: {  	s1 =	sld [smem:$0x3FB0]  }
0x28: {  	s2 =	sld [smem:$0x3FB1]  }
0x29: {  	s4 =	sld [smem:$0x3FB3]  }
0x2a: {  	p0 =	seq.s32 s5, $0x0;
	s5 =	sld [smem:$0x3FB4]  }
0x2b: {  	s6 =	sld [smem:$0x3FB5]  }
0x2c: {  	s7 =	sld [smem:$0x3FB6]  }
0x2d: {  	s3 =	simm.s32 $0x108;
	s8 =	sld [smem:$0x3FB7]  }
0x2e: {  	s3 =	simm.s32 @!p0 $0x1082;
	s9 =	sld [smem:$0x3FB8]  }
0x2f: {  	lr =	sadd.s32 s0, s3;
	s0 =	sld [smem:$0x3FAF]  }
0x30: {  	s3 =	sld [smem:$0x3FB2]  }
0x31: {  	[smem:$0x3FBB] =	sst s10  }
0x32: {  	s10 =	sld [smem:$0x3FB9];
	_ =	sdelay $0x3  }
0x33: {  	p0 =	seq.s32 s10, $0x1;
	s10 =	sld [smem:$0x3FBB];
	_ =	sdelay $0x3  }
0x34: {  	[smem:$0x3FBB] =	sst s10  }
0x35: {  	s10 =	sld [smem:$0x3FBA];
	_ =	sdelay $0x3  }
0x36: {  	p1 =	seq.s32 s10, $0x1;
	s10 =	sld [smem:$0x3FBB];
	_ =	sdelay $0x3  }
0x37: {  	[smem:$0x3FBB] =	sst s10  }
0x38: {  	s10 =	sld [smem:$0x3FBC]  }
0x39: {  	_ = 	snop;
	(pc) =	sbr.ind lr, $3  }
0x3a: {  	_ = 	snop  }
0x3b: {  	_ = 	snop  }
0x3c: {  	p2 =	seq.s32 s10, $0x1;
	s10 =	sld [smem:$0x3FBB]  }
0x3d: {  	_ =	shalt  }
0x3e: {  	_ =	shalt  }
0x3f: {  	_ =	shalt  }
0x40: {  	_ =	shalt  }
0x41: {  	_ =	shalt  }
0x42: {  	_ =	shalt  }
0x43: {  	_ =	shalt  }
0x44: {  	_ =	shalt  }
0x45: {  	_ =	shalt  }
0x46: {  	_ =	shalt  }
0x47: {  	_ =	shalt  }
0x48: {  	_ =	shalt  }
0x49: {  	_ =	shalt  }
0x4a: {  	_ =	shalt  }
0x4b: {  	_ =	shalt  }
0x4c: {  	_ =	shalt  }
0x4d: {  	_ =	shalt  }
0x4e: {  	_ =	shalt  }
0x4f: {  	_ =	shalt  }
0x50: {  	_ =	shalt  }
0x51: {  	_ =	shalt  }
0x52: {  	_ =	shalt  }
0x53: {  	_ =	shalt  }
0x54: {  	_ =	shalt  }
0x55: {  	_ =	shalt  }
0x56: {  	_ =	shalt  }
0x57: {  	_ =	shalt  }
0x58: {  	_ =	shalt  }
0x59: {  	_ =	shalt  }
0x5a: {  	_ =	shalt  }
0x5b: {  	_ =	shalt  }
0x5c: {  	_ =	shalt  }
0x5d: {  	_ =	shalt  }
0x5e: {  	_ =	shalt  }
0x5f: {  	_ =	shalt  }
0x60: {  	_ =	shalt  }
0x61: {  	_ =	shalt  }
0x62: {  	_ =	shalt  }
0x63: {  	_ =	shalt  }
0x64: {  	_ =	shalt  }
0x65: {  	_ =	shalt  }
0x66: {  	_ =	shalt  }
0x67: {  	_ =	shalt  }
0x68: {  	_ =	shalt  }
0x69: {  	_ =	shalt  }
0x6a: {  	_ =	shalt  }
0x6b: {  	_ =	shalt  }
0x6c: {  	_ =	shalt  }
0x6d: {  	_ =	shalt  }
0x6e: {  	_ =	shalt  }
0x6f: {  	_ =	shalt  }
0x70: {  	_ =	shalt  }
0x71: {  	_ =	shalt  }
0x72: {  	_ =	shalt  }
0x73: {  	_ =	shalt  }
0x74: {  	_ =	shalt  }
0x75: {  	_ =	shalt  }
0x76: {  	_ =	shalt  }
0x77: {  	_ =	shalt  }
0x78: {  	_ =	shalt  }
0x79: {  	_ =	shalt  }
0x7a: {  	_ =	shalt  }
0x7b: {  	_ =	shalt  }
0x7c: {  	_ =	shalt  }
0x7d: {  	_ =	shalt  }
0x7e: {  	_ =	shalt  }
0x7f: {  	_ =	shalt  }
0x80: {  	_ =	shalt  }
0x81: {  	_ =	shalt  }
0x82: {  	_ =	shalt  }
0x83: {  	_ =	shalt  }
0x84: {  	_ =	shalt  }
0x85: {  	_ =	shalt  }
0x86: {  	_ =	shalt  }
0x87: {  	_ =	shalt  }
.Lfunc_end0:
.L_simem_size_0:
called_computation_lowered:
.L_overlay_start_0:
0x88: {  	s2 =	sld [smem:$0x3FD9]  }
0x89: {  	s3 =	sld [smem:$0x3FFE];
	_ =	sdelay $0x1  }
0x8a: {  	s1 =	srdreg.scid  }
0x8b: {  	s0 =	sand.u32 $0x1, s1  }
0x8c: {  	s17 =	sshll.u32 s0, $0xA;
	s2 =	sadd.s32 s3, s2  }
0x8d: {  	s2 =	sadd.s32 s2, s17  }
0x8e: {  	[smem:$0x3FC7] =	sst s2  }
0x8f: {  	_ = 	snop  }
0x90: {  	s2 =	sld [smem:$0x3FD0];
	(tm) =	ssettm $0x1  }
0x91: {  	s18 =	sld [smem:$0x3FFB];
	_ =	sdelay $0x3  }
0x92: {  	_ =	strace s18  }
0x93: {  	s3 =	sld [smem:$0x3FFC];
	_ =	sdelay $0x3  }
0x94: {  	_ =	strace s3  }
0x95: {  	s3 =	sld [smem:$0x3FFD];
	_ =	sdelay $0x3  }
0x96: {  	_ =	strace s3  }
0x97: {  	_ =	strace $0x8FFFFFFF  }
0x98: {  	s19 =	sld [smem:$0x3FDB];
	_ =	sdelay $0x1  }
0x99: {  	s4 =	simm.s32 $_scs_section_size  }
0x9a: {  	s5 =	simm.s32 $_size__tile_overlayer_lowered;
	s6 =	simm.s32 $_tile_overlayer_lowered  }
0x9b: {  	s22 =	simm.s32 $0x1BFF;
	s21 =	sshll.u32 s6, $0x1;
	s3 =	sadd.s32 s4, s19  }
0x9c: {  	s7 =	simm.s32 $0x0;
	s20 =	sshll.u32 s5, $0x1;
	s5 =	sadd.s32 s21, s3  }
0x9d: {  	[timem:s7], [sflag:s22] =	dma.local [hbm:s5], s20  }
0x9e: {  	_ =	swait.ge [sflag:s22], s20  }
0x9f: {  	s4 =	ssub.s32 $0x0, s20;
	[sflag:s22] =	ssyncset.done $0x0  }
0xa0: {  	[sflag:s22] =	ssyncadd.s32 s4;
	_ =	sdelay $0x1  }
0xa1: {  	s23 =	simm.s32 $0x1B8B  }
0xa2: {  	_ =	swait.ge [sflag:s23], $0x1  }
0xa3: {  	[sflag:s23] =	ssyncset.done $0x0  }
0xa4: {  	s25 =	simm.s32 $0x1B8E;
	s24 =	sld [smem:$0x3FFE];
	[sflag:s23] =	ssyncadd.s32 $0xFFFFFFFF  }
0xa5: {  	s26 =	simm.s32 $execute0_lowered;
	[smem:$0x3FD2] =	sst s25  }
0xa6: {  	s5 =	sshll.u32 s26, $0x1;
	_ =	strace $0x80000046;
	[dreg:$0x1] =	wrdreg $0xFFFFFFFF  }
0xa7: {  	s28 =	simm.s32 $_size_execute0_lowered;
	s3 =	sadd.s32 s3, s5;
	[dreg:$0x0] =	wrdreg $0x0  }
0xa8: {  	s5 =	sshll.u32 s28, $0x1;
	[dreg:$0x2] =	wrdreg s3  }
0xa9: {  	[dreg:$0x3] =	wrdreg s5  }
0xaa: {  	[dreg:$0x4] =	wrdreg $0xC0  }
0xab: {  	_ =	task [dreg:s7], $0x5FFFF  }
0xac: {  	[dreg:$0x1] =	wrdreg $0xFFFFFFFF  }
0xad: {  	[dreg:$0x0] =	wrdreg $0x60  }
0xae: {  	[dreg:$0x2] =	wrdreg s24  }
0xaf: {  	[dreg:$0x3] =	wrdreg s2  }
0xb0: {  	[dreg:$0x4] =	wrdreg $0x9  }
0xb1: {  	_ =	task.clear_ibuf [dreg:s7], $0x5FFFF;
	_ =	strace $0x90000046  }
0xb2: {  	s29 =	simm.s32 $0x9;
	_ =	strace $0x80000048  }
0xb3: {  	_ =	swait.ge [sflag:s29], $0x1  }
0xb4: {  	[sflag:s29] =	ssyncadd.s32 $0xFFFFFFFF  }
0xb5: {  	_ =	strace $0x90000048  }
0xb6: {  	_ =	sfence  }
0xb7: {  	s30 =	sld [smem:$0x0];
	_ =	sdelay $0x2  }
0xb8: {  	s31 =	sshll.u32 s1, $0xD;
	s1 =	sshrl.u32 s1, $0x2  }
0xb9: {  	s3 =	sand.u32 $0x4000, s31;
	s1 =	sadd.s32 s1, s30  }
0xba: {  	s0 =	sor.u32 s3, s0;
	s1 =	sshll.u32 s1, $0x11  }
0xbb: {  	s0 =	sor.u32 s1, s0  }
0xbc: {  	s0 =	sadd.s32 $0x8F2B, s0  }
0xbd: {  	[sflag:s0] =	ssyncadd.remote.s32 $0x1  }
0xbe: {  	_ =	sfence.sel $0xFFFF  }
0xbf: {  	[dreg:$0x0] =	wrdreg $0xFFFFFFFF;
	(pc) =	sbr.abs _section_cstart, $3  }
0xc0: {  	[dreg:$0x1] =	wrdreg $0xFFFFFFFF  }
0xc1: {  	_ =	task.clear_ibuf [dreg:s7], $0x2FFFF;
	_ =	strace $0x9FFFFFFF  }
0xc2: {  	(tm) =	ssettm $0x7FFFFFFF  }
0xc3: {  	_ =	shalt  }
tec
execute0_lowered:
.L_overlay_start_1:
0x0: {  	(tag) =	ssettag $0x1  }
0x1: {  	s3 =	rddreg [dreg:$0x0]  }
0x2: {  	s0 =	rddreg [dreg:$0x1];
	s1 =	simm.s32 $0x0;
	s2 =	srdreg.scid  }
0x3: {  	s28 =	simm.s32 $0x2;
	s29 =	simm.s32 $0x1;
	s30 =	simm.s32 $0x400  }
0x4: {  	s31 =	simm.s32 $0x2000;
	[smem:$0x7FF] =	sst s1;
	s4 =	sand.u32 $0x1, s2  }
0x5: {  	s2 =	stileid.u32;
	s10 =	sadd.s32 $0x400, s3;
	s3 =	sadd.s32 $0x1200, s3  }
0x6: {  	_ =	strace $0x80000047;
	s5 =	ssub.s32 $0x2, s4;
	s7 =	sshll.u32 s2, $0x1  }
0x7: {  	s17 =	sshrl.u32 s2, $0x2;
	p0 =	sgt.u32 s2, $0x7;
	s6 =	sshrl.u32 s5, $0x1  }
0x8: {  	s9 =	sor.u32 s4, s7;
	s17 =	smul.u32 $0xFA000, s17;
	s19 =	ssub.s32 s5, s6  }
0x9: {  	s4 =	sand.u32 $0xF, s9;
	s22 =	sshll.u32 s9, $0x4;
	s11 =	sor.u32 $0x20, s9  }
0xa: {  	s12 =	sor.u32 $0x40, s9;
	s14 =	sor.u32 $0x60, s9;
	s15 =	sor.u32 $0x80, s9  }
0xb: {  	s16 =	sor.u32 $0xA0, s9;
	s21 =	sshll.u32 s9, $0xA;
	s13 =	sor.u32 $0xC0, s4  }
0xc: {  	s4 =	sadd.s32 s10, s22;
	s23 =	sshll.u32 s11, $0x4;
	s24 =	sshll.u32 s12, $0x4  }
0xd: {  	s25 =	sshll.u32 s14, $0x4;
	s8 =	sshll.u32 s15, $0x4;
	s18 =	sshll.u32 s16, $0x4  }
0xe: {  	s11 =	sshrl.u32 s11, $0x3;
	s26 =	sand.u32 $0x1C00, s21;
	s12 =	sshrl.u32 s12, $0x3  }
0xf: {  	s14 =	sshrl.u32 s14, $0x3;
	s15 =	sshrl.u32 s15, $0x3;
	s16 =	sshrl.u32 s16, $0x3  }
0x10: {  	s19 =	smax.u32 s19, $0x1;
	s5 =	sadd.s32 s10, s23;
	s11 =	smul.u32 $0xFA000, s11  }
0x11: {  	s6 =	sadd.s32 s10, s24;
	s7 =	sadd.s32 s10, s25;
	s22 =	smul.u32 $0xFA000, s12  }
0x12: {  	s8 =	sadd.s32 s10, s8;
	s20 =	sshll.u32 s13, $0x4;
	s14 =	smul.u32 $0xFA000, s14  }
0x13: {  	s9 =	sadd.s32 s10, s18;
	s17 =	sor.u32 s17, s26;
	s15 =	smul.u32 $0xFA000, s15  }
0x14: {  	s13 =	sshrl.u32 s13, $0x3;
	s16 =	smul.u32 $0xFA000, s16;
	s10 =	sadd.s32 s10, s20  }
0x15: {  	s17 =	sshrl.u32 s17, $0x3;
	s24 =	smul.u32 $0xFA000, s13;
	s11 =	sor.u32 s26, s11  }
0x16: {  	s23 =	sor.u32 s26, s22;
	s14 =	sor.u32 s26, s14;
	s15 =	sor.u32 s26, s15  }
0x17: {  	s16 =	sor.u32 s26, s16;
	s22 =	simm.s32 $0x180;
	s21 =	sshrl.u32 s11, $0x3  }
0x18: {  	s11 =	sadd.s32 s0, s17;
	s17 =	sshrl.u32 s23, $0x3;
	s14 =	sshrl.u32 s14, $0x3  }
0x19: {  	s20 =	sor.u32 s26, s24;
	s15 =	sshrl.u32 s15, $0x3;
	s16 =	sshrl.u32 s16, $0x3  }
0x1a: {  	s23 =	simm.s32 $0x200;
	s24 =	simm.s32 $0x280;
	s12 =	sadd.s32 s0, s21  }
.Ltmp0:
0x1b: {  	s13 =	sadd.s32 s0, s17;
	s14 =	sadd.s32 s0, s14;
	(pc) =	sbr.rel .LBB2_1-.Ltmp0, $4  }
0x1c: {  	v0 =	vlaneseq.u32;
	s25 =	sadd.s32 $0x7C000, s20;
	s15 =	sadd.s32 s0, s15;
	s16 =	sadd.s32 s0, s16  }
0x1d: {  	v1 =	vimm.s32 $0x1;
	v9 =	vimm.s32 $0x0;
	v2 =	vor.u32 $0x10, v0;
	s26 =	sshrl.u32 s20, $0x3;
	s20 =	simm.s32 $0x80;
	s21 =	simm.s32 $0x100  }
0x1e: {  	v3 =	vor.u32 $0x20, v0;
	v4 =	vor.u32 $0x30, v0;
	v5 =	vor.u32 $0x40, v0;
	s17 =	sshrl.u32 s25, $0x3;
	s18 =	sadd.s32 s0, s26;
	s25 =	simm.s32 $0x300  }
0x1f: {  	v6 =	vor.u32 $0x50, v0;
	v7 =	vor.u32 $0x60, v0;
	v8 =	vor.u32 $0x70, v0;
	s26 =	simm.s32 $0x380;
	s17 =	sadd.s32 s0, s17;
	s0 =	simm.s32 $0xFB80  }
.LBB2_3:
0x20: {  	v11 =	vadd.s32 $0xFFFFFE10, v11  }
0x21: {  	vm0 =	vlt.u32 v11, $0x1F8;
	_ =	sdelay $0x5  }
0x22: {  	[tilespmem:v10+s26+$0x0] =	vst.idx.msk vm0, v1  }
0x23: {  	v10 =	vld [tilespmem:$0x310];
	_ =	sdelay $0x4  }
0x24: {  	v11 =	vadd.s32 $0xFFFFFE10, v10  }
0x25: {  	v10 =	vshll.u32 v10, $0x7;
	vm9 =	vlt.u32 v11, $0x1F8  }
0x26: {  	v10 =	vor.u32 v2, v10;
	_ =	sdelay $0x4  }
0x27: {  	[tilespmem:v10+s26+$0x0] =	vst.idx.msk vm9, v1  }
0x28: {  	v10 =	vld [tilespmem:$0x320];
	_ =	sdelay $0x4  }
0x29: {  	v11 =	vadd.s32 $0xFFFFFE10, v10  }
0x2a: {  	v10 =	vshll.u32 v10, $0x7;
	vm10 =	vlt.u32 v11, $0x1F8  }
0x2b: {  	v10 =	vor.u32 v3, v10;
	_ =	sdelay $0x4  }
0x2c: {  	[tilespmem:v10+s26+$0x0] =	vst.idx.msk vm10, v1  }
0x2d: {  	v10 =	vld [tilespmem:$0x330];
	_ =	sdelay $0x4  }
0x2e: {  	v11 =	vadd.s32 $0xFFFFFE10, v10  }
0x2f: {  	v10 =	vshll.u32 v10, $0x7;
	vm11 =	vlt.u32 v11, $0x1F8  }
0x30: {  	v10 =	vor.u32 v4, v10;
	_ =	sdelay $0x4  }
0x31: {  	[tilespmem:v10+s26+$0x0] =	vst.idx.msk vm11, v1  }
0x32: {  	v10 =	vld [tilespmem:$0x340];
	_ =	sdelay $0x4  }
0x33: {  	v11 =	vadd.s32 $0xFFFFFE10, v10  }
0x34: {  	v10 =	vshll.u32 v10, $0x7;
	vm12 =	vlt.u32 v11, $0x1F8  }
0x35: {  	v10 =	vor.u32 v5, v10;
	_ =	sdelay $0x4  }
0x36: {  	[tilespmem:v10+s26+$0x0] =	vst.idx.msk vm12, v1  }
0x37: {  	v10 =	vld [tilespmem:$0x350];
	_ =	sdelay $0x4  }
0x38: {  	v11 =	vadd.s32 $0xFFFFFE10, v10  }
0x39: {  	v10 =	vshll.u32 v10, $0x7;
	vm13 =	vlt.u32 v11, $0x1F8  }
0x3a: {  	v10 =	vor.u32 v6, v10;
	_ =	sdelay $0x4  }
0x3b: {  	[tilespmem:v10+s26+$0x0] =	vst.idx.msk vm13, v1  }
0x3c: {  	v10 =	vld [tilespmem:$0x360];
	_ =	sdelay $0x4  }
0x3d: {  	v11 =	vadd.s32 $0xFFFFFE10, v10  }
0x3e: {  	v10 =	vshll.u32 v10, $0x7;
	vm14 =	vlt.u32 v11, $0x1F8  }
0x3f: {  	v10 =	vor.u32 v7, v10;
	_ =	sdelay $0x4  }
0x40: {  	[tilespmem:v10+s26+$0x0] =	vst.idx.msk vm14, v1  }
0x41: {  	v10 =	vld [tilespmem:$0x370];
	_ =	sdelay $0x4  }
0x42: {  	v11 =	vadd.s32 $0xFFFFFE10, v10  }
0x43: {  	v10 =	vshll.u32 v10, $0x7;
	vm15 =	vlt.u32 v11, $0x1F8  }
0x44: {  	v10 =	vor.u32 v8, v10;
	_ =	sdelay $0x4  }
0x45: {  	[tilespmem:v10+s26+$0x0] =	vst.idx.msk vm15, v1  }
0x46: {  	[hbm4b:s17+s30] =	stream.strided.scatter [tilespmem:s0], [sflag:$0x1], $0xFC00, s31, s30, $0x38;
	[tilespmem:$0x1F780] =	vst v63  }
0x47: {  	_ =	swait.ge [sflag:s29], $0xFC00  }
0x48: {  	[sflag:s29] =	ssyncset.done $0x0  }
0x49: {  	[sflag:s29] =	ssyncadd.s32 $0xFFFF0400  }
.LBB2_4:
0x4a: {  	s19 =	sadd.s32 $0xFFFFFFFF, s19  }
0x4b: {  	p1 =	sne.s32 s19, $0x0  }
.Ltmp1:
0x4c: {  	_ = 	snop;
	(pc) =	sbr.rel @!p1 .LBB2_5-.Ltmp1, $1  }
0x4d: {  	_ =	sdelay $0x3  }
.LBB2_1:
0x4e: {  	[tilespmem:s1], [sflag:$0x2] =	stream.linear.gather [hbm4b:s4+s1], $0x80, $0x38;
	[tilespmem:$0x1F780] =	vst v63  }
0x4f: {  	_ = 	snop  }
0x50: {  	[tilespmem:s20], [sflag:$0x2] =	stream.linear.gather [hbm4b:s5+s1], $0x80, $0x38;
	[tilespmem:$0x1F780] =	vst v63  }
0x51: {  	_ = 	snop  }
0x52: {  	[tilespmem:s21], [sflag:$0x2] =	stream.linear.gather [hbm4b:s6+s1], $0x80, $0x38;
	[tilespmem:$0x1F780] =	vst v63  }
0x53: {  	_ = 	snop  }
0x54: {  	[tilespmem:s22], [sflag:$0x2] =	stream.linear.gather [hbm4b:s7+s1], $0x80, $0x38;
	[tilespmem:$0x1F780] =	vst v63  }
0x55: {  	_ = 	snop  }
0x56: {  	[tilespmem:s23], [sflag:$0x2] =	stream.linear.gather [hbm4b:s8+s1], $0x80, $0x38;
	[tilespmem:$0x1F780] =	vst v63  }
0x57: {  	_ = 	snop  }
0x58: {  	[tilespmem:s24], [sflag:$0x2] =	stream.linear.gather [hbm4b:s9+s1], $0x80, $0x38;
	[tilespmem:$0x1F780] =	vst v63  }
0x59: {  	_ = 	snop  }
0x5a: {  	[tilespmem:s25], [sflag:$0x2] =	stream.linear.gather [hbm4b:s10+s1], $0x80, $0x38;
	[tilespmem:$0x1F780] =	vst v63  }
0x5b: {  	_ = 	snop  }
0x5c: {  	[tilespmem:s26], [sflag:$0x1] =	stream.linear.gather [hbm4b:s3+s1], $0x1F400, $0x38;
	[tilespmem:$0x1F780] =	vst v63  }
0x5d: {  	_ =	swait.ge [sflag:s28], $0x80  }
0x5e: {  	[sflag:s28] =	ssyncset.done $0x0  }
0x5f: {  	[sflag:s28] =	ssyncadd.s32 $0xFFFFFF80  }
0x60: {  	_ =	swait.ge [sflag:s28], $0x80  }
0x61: {  	[sflag:s28] =	ssyncset.done $0x0  }
0x62: {  	[sflag:s28] =	ssyncadd.s32 $0xFFFFFF80  }
0x63: {  	_ =	swait.ge [sflag:s28], $0x80  }
0x64: {  	[sflag:s28] =	ssyncset.done $0x0  }
0x65: {  	[sflag:s28] =	ssyncadd.s32 $0xFFFFFF80  }
0x66: {  	_ =	swait.ge [sflag:s28], $0x80  }
0x67: {  	[sflag:s28] =	ssyncset.done $0x0  }
0x68: {  	[sflag:s28] =	ssyncadd.s32 $0xFFFFFF80  }
0x69: {  	_ =	swait.ge [sflag:s28], $0x80  }
0x6a: {  	[sflag:s28] =	ssyncset.done $0x0  }
0x6b: {  	[sflag:s28] =	ssyncadd.s32 $0xFFFFFF80  }
0x6c: {  	_ =	swait.ge [sflag:s28], $0x80  }
0x6d: {  	[sflag:s28] =	ssyncset.done $0x0  }
0x6e: {  	[sflag:s28] =	ssyncadd.s32 $0xFFFFFF80  }
0x6f: {  	_ =	swait.ge [sflag:s28], $0x80  }
0x70: {  	[sflag:s28] =	ssyncset.done $0x0  }
0x71: {  	[sflag:s28] =	ssyncadd.s32 $0xFFFFFF80  }
0x72: {  	_ =	swait.ge [sflag:s29], $0x1F400  }
0x73: {  	[sflag:s29] =	ssyncset.done $0x0  }
0x74: {  	[sflag:s29] =	ssyncadd.s32 $0xFFFE0C00  }
0x75: {  	v10 =	vld [tilespmem:$0x0];
	_ =	sdelay $0x4  }
0x76: {  	v10 =	vshll.u32 v10, $0x7  }
0x77: {  	v10 =	vor.u32 v0, v10;
	_ =	sdelay $0x4  }
0x78: {  	[tilespmem:v10+s26+$0x0] =	vst.idx.msk $0xffff, v1  }
0x79: {  	v10 =	vld [tilespmem:$0x10];
	_ =	sdelay $0x4  }
0x7a: {  	v10 =	vshll.u32 v10, $0x7  }
0x7b: {  	v10 =	vor.u32 v2, v10;
	_ =	sdelay $0x4  }
0x7c: {  	[tilespmem:v10+s26+$0x0] =	vst.idx.msk $0xffff, v1  }
0x7d: {  	v10 =	vld [tilespmem:$0x20];
	_ =	sdelay $0x4  }
0x7e: {  	v10 =	vshll.u32 v10, $0x7  }
0x7f: {  	v10 =	vor.u32 v3, v10;
	_ =	sdelay $0x4  }
0x80: {  	[tilespmem:v10+s26+$0x0] =	vst.idx.msk $0xffff, v1  }
0x81: {  	v10 =	vld [tilespmem:$0x30];
	_ =	sdelay $0x4  }
0x82: {  	v10 =	vshll.u32 v10, $0x7  }
0x83: {  	v10 =	vor.u32 v4, v10;
	_ =	sdelay $0x4  }
0x84: {  	[tilespmem:v10+s26+$0x0] =	vst.idx.msk $0xffff, v1  }
0x85: {  	v10 =	vld [tilespmem:$0x40];
	_ =	sdelay $0x4  }
0x86: {  	v10 =	vshll.u32 v10, $0x7  }
0x87: {  	v10 =	vor.u32 v5, v10;
	_ =	sdelay $0x4  }
0x88: {  	[tilespmem:v10+s26+$0x0] =	vst.idx.msk $0xffff, v1  }
0x89: {  	v10 =	vld [tilespmem:$0x50];
	_ =	sdelay $0x4  }
0x8a: {  	v10 =	vshll.u32 v10, $0x7  }
0x8b: {  	v10 =	vor.u32 v6, v10;
	_ =	sdelay $0x4  }
0x8c: {  	[tilespmem:v10+s26+$0x0] =	vst.idx.msk $0xffff, v1  }
0x8d: {  	v10 =	vld [tilespmem:$0x60];
	_ =	sdelay $0x4  }
0x8e: {  	v10 =	vshll.u32 v10, $0x7  }
0x8f: {  	v10 =	vor.u32 v7, v10;
	_ =	sdelay $0x4  }
0x90: {  	[tilespmem:v10+s26+$0x0] =	vst.idx.msk $0xffff, v1  }
0x91: {  	v10 =	vld [tilespmem:$0x70];
	_ =	sdelay $0x4  }
0x92: {  	v10 =	vshll.u32 v10, $0x7  }
0x93: {  	v10 =	vor.u32 v8, v10;
	_ =	sdelay $0x4  }
0x94: {  	[tilespmem:v10+s26+$0x0] =	vst.idx.msk $0xffff, v1  }
0x95: {  	[hbm4b:s11+s30] =	stream.strided.scatter [tilespmem:s26], [sflag:$0x1], $0x1F400, s31, s30, $0x38;
	[tilespmem:$0x1F780] =	vst v63  }
0x96: {  	_ =	swait.ge [sflag:s29], $0x1F400  }
0x97: {  	[sflag:s29] =	ssyncset.done $0x0  }
0x98: {  	[sflag:s29] =	ssyncadd.s32 $0xFFFE0C00  }
0x99: {  	v10 =	vld [tilespmem:$0x0];
	_ =	sdelay $0x4  }
0x9a: {  	v10 =	vshll.u32 v10, $0x7  }
0x9b: {  	v10 =	vor.u32 v0, v10;
	_ =	sdelay $0x4  }
0x9c: {  	[tilespmem:v10+s26+$0x0] =	vst.idx.msk $0xffff, v9  }
0x9d: {  	v10 =	vld [tilespmem:$0x10];
	_ =	sdelay $0x4  }
0x9e: {  	v10 =	vshll.u32 v10, $0x7  }
0x9f: {  	v10 =	vor.u32 v2, v10;
	_ =	sdelay $0x4  }
0xa0: {  	[tilespmem:v10+s26+$0x0] =	vst.idx.msk $0xffff, v9  }
0xa1: {  	v10 =	vld [tilespmem:$0x20];
	_ =	sdelay $0x4  }
0xa2: {  	v10 =	vshll.u32 v10, $0x7  }
0xa3: {  	v10 =	vor.u32 v3, v10;
	_ =	sdelay $0x4  }
0xa4: {  	[tilespmem:v10+s26+$0x0] =	vst.idx.msk $0xffff, v9  }
0xa5: {  	v10 =	vld [tilespmem:$0x30];
	_ =	sdelay $0x4  }
0xa6: {  	v10 =	vshll.u32 v10, $0x7  }
0xa7: {  	v10 =	vor.u32 v4, v10;
	_ =	sdelay $0x4  }
0xa8: {  	[tilespmem:v10+s26+$0x0] =	vst.idx.msk $0xffff, v9  }
0xa9: {  	v10 =	vld [tilespmem:$0x40];
	_ =	sdelay $0x4  }
0xaa: {  	v10 =	vshll.u32 v10, $0x7  }
0xab: {  	v10 =	vor.u32 v5, v10;
	_ =	sdelay $0x4  }
0xac: {  	[tilespmem:v10+s26+$0x0] =	vst.idx.msk $0xffff, v9  }
0xad: {  	v10 =	vld [tilespmem:$0x50];
	_ =	sdelay $0x4  }
0xae: {  	v10 =	vshll.u32 v10, $0x7  }
0xaf: {  	v10 =	vor.u32 v6, v10;
	_ =	sdelay $0x4  }
0xb0: {  	[tilespmem:v10+s26+$0x0] =	vst.idx.msk $0xffff, v9  }
0xb1: {  	v10 =	vld [tilespmem:$0x60];
	_ =	sdelay $0x4  }
0xb2: {  	v10 =	vshll.u32 v10, $0x7  }
0xb3: {  	v10 =	vor.u32 v7, v10;
	_ =	sdelay $0x4  }
0xb4: {  	[tilespmem:v10+s26+$0x0] =	vst.idx.msk $0xffff, v9  }
0xb5: {  	v10 =	vld [tilespmem:$0x70];
	_ =	sdelay $0x4  }
0xb6: {  	v10 =	vshll.u32 v10, $0x7  }
0xb7: {  	v10 =	vor.u32 v8, v10;
	_ =	sdelay $0x4  }
0xb8: {  	[tilespmem:v10+s26+$0x0] =	vst.idx.msk $0xffff, v9  }
0xb9: {  	v10 =	vld [tilespmem:$0x80];
	_ =	sdelay $0x4  }
0xba: {  	v10 =	vshll.u32 v10, $0x7  }
0xbb: {  	v10 =	vor.u32 v0, v10;
	_ =	sdelay $0x4  }
0xbc: {  	[tilespmem:v10+s26+$0x0] =	vst.idx.msk $0xffff, v1  }
0xbd: {  	v10 =	vld [tilespmem:$0x90];
	_ =	sdelay $0x4  }
0xbe: {  	v10 =	vshll.u32 v10, $0x7  }
0xbf: {  	v10 =	vor.u32 v2, v10;
	_ =	sdelay $0x4  }
0xc0: {  	[tilespmem:v10+s26+$0x0] =	vst.idx.msk $0xffff, v1  }
0xc1: {  	v10 =	vld [tilespmem:$0xA0];
	_ =	sdelay $0x4  }
0xc2: {  	v10 =	vshll.u32 v10, $0x7  }
0xc3: {  	v10 =	vor.u32 v3, v10;
	_ =	sdelay $0x4  }
0xc4: {  	[tilespmem:v10+s26+$0x0] =	vst.idx.msk $0xffff, v1  }
0xc5: {  	v10 =	vld [tilespmem:$0xB0];
	_ =	sdelay $0x4  }
0xc6: {  	v10 =	vshll.u32 v10, $0x7  }
0xc7: {  	v10 =	vor.u32 v4, v10;
	_ =	sdelay $0x4  }
0xc8: {  	[tilespmem:v10+s26+$0x0] =	vst.idx.msk $0xffff, v1  }
0xc9: {  	v10 =	vld [tilespmem:$0xC0];
	_ =	sdelay $0x4  }
0xca: {  	v10 =	vshll.u32 v10, $0x7  }
0xcb: {  	v10 =	vor.u32 v5, v10;
	_ =	sdelay $0x4  }
0xcc: {  	[tilespmem:v10+s26+$0x0] =	vst.idx.msk $0xffff, v1  }
0xcd: {  	v10 =	vld [tilespmem:$0xD0];
	_ =	sdelay $0x4  }
0xce: {  	v10 =	vshll.u32 v10, $0x7  }
0xcf: {  	v10 =	vor.u32 v6, v10;
	_ =	sdelay $0x4  }
0xd0: {  	[tilespmem:v10+s26+$0x0] =	vst.idx.msk $0xffff, v1  }
0xd1: {  	v10 =	vld [tilespmem:$0xE0];
	_ =	sdelay $0x4  }
0xd2: {  	v10 =	vshll.u32 v10, $0x7  }
0xd3: {  	v10 =	vor.u32 v7, v10;
	_ =	sdelay $0x4  }
0xd4: {  	[tilespmem:v10+s26+$0x0] =	vst.idx.msk $0xffff, v1  }
0xd5: {  	v10 =	vld [tilespmem:$0xF0];
	_ =	sdelay $0x4  }
0xd6: {  	v10 =	vshll.u32 v10, $0x7  }
0xd7: {  	v10 =	vor.u32 v8, v10;
	_ =	sdelay $0x4  }
0xd8: {  	[tilespmem:v10+s26+$0x0] =	vst.idx.msk $0xffff, v1  }
0xd9: {  	[hbm4b:s12+s30] =	stream.strided.scatter [tilespmem:s26], [sflag:$0x1], $0x1F400, s31, s30, $0x38;
	[tilespmem:$0x1F780] =	vst v63  }
0xda: {  	_ =	swait.ge [sflag:s29], $0x1F400  }
0xdb: {  	[sflag:s29] =	ssyncset.done $0x0  }
0xdc: {  	[sflag:s29] =	ssyncadd.s32 $0xFFFE0C00  }
0xdd: {  	v10 =	vld [tilespmem:$0x80];
	_ =	sdelay $0x4  }
0xde: {  	v10 =	vshll.u32 v10, $0x7  }
0xdf: {  	v10 =	vor.u32 v0, v10;
	_ =	sdelay $0x4  }
0xe0: {  	[tilespmem:v10+s26+$0x0] =	vst.idx.msk $0xffff, v9  }
0xe1: {  	v10 =	vld [tilespmem:$0x90];
	_ =	sdelay $0x4  }
0xe2: {  	v10 =	vshll.u32 v10, $0x7  }
0xe3: {  	v10 =	vor.u32 v2, v10;
	_ =	sdelay $0x4  }
0xe4: {  	[tilespmem:v10+s26+$0x0] =	vst.idx.msk $0xffff, v9  }
0xe5: {  	v10 =	vld [tilespmem:$0xA0];
	_ =	sdelay $0x4  }
0xe6: {  	v10 =	vshll.u32 v10, $0x7  }
0xe7: {  	v10 =	vor.u32 v3, v10;
	_ =	sdelay $0x4  }
0xe8: {  	[tilespmem:v10+s26+$0x0] =	vst.idx.msk $0xffff, v9  }
0xe9: {  	v10 =	vld [tilespmem:$0xB0];
	_ =	sdelay $0x4  }
0xea: {  	v10 =	vshll.u32 v10, $0x7  }
0xeb: {  	v10 =	vor.u32 v4, v10;
	_ =	sdelay $0x4  }
0xec: {  	[tilespmem:v10+s26+$0x0] =	vst.idx.msk $0xffff, v9  }
0xed: {  	v10 =	vld [tilespmem:$0xC0];
	_ =	sdelay $0x4  }
0xee: {  	v10 =	vshll.u32 v10, $0x7  }
0xef: {  	v10 =	vor.u32 v5, v10;
	_ =	sdelay $0x4  }
0xf0: {  	[tilespmem:v10+s26+$0x0] =	vst.idx.msk $0xffff, v9  }
0xf1: {  	v10 =	vld [tilespmem:$0xD0];
	_ =	sdelay $0x4  }
0xf2: {  	v10 =	vshll.u32 v10, $0x7  }
0xf3: {  	v10 =	vor.u32 v6, v10;
	_ =	sdelay $0x4  }
0xf4: {  	[tilespmem:v10+s26+$0x0] =	vst.idx.msk $0xffff, v9  }
0xf5: {  	v10 =	vld [tilespmem:$0xE0];
	_ =	sdelay $0x4  }
0xf6: {  	v10 =	vshll.u32 v10, $0x7  }
0xf7: {  	v10 =	vor.u32 v7, v10;
	_ =	sdelay $0x4  }
0xf8: {  	[tilespmem:v10+s26+$0x0] =	vst.idx.msk $0xffff, v9  }
0xf9: {  	v10 =	vld [tilespmem:$0xF0];
	_ =	sdelay $0x4  }
0xfa: {  	v10 =	vshll.u32 v10, $0x7  }
0xfb: {  	v10 =	vor.u32 v8, v10;
	_ =	sdelay $0x4  }
0xfc: {  	[tilespmem:v10+s26+$0x0] =	vst.idx.msk $0xffff, v9  }
0xfd: {  	v10 =	vld [tilespmem:$0x100];
	_ =	sdelay $0x4  }
0xfe: {  	v10 =	vshll.u32 v10, $0x7  }
0xff: {  	v10 =	vor.u32 v0, v10;
	_ =	sdelay $0x4  }
0x100: {  	[tilespmem:v10+s26+$0x0] =	vst.idx.msk $0xffff, v1  }
0x101: {  	v10 =	vld [tilespmem:$0x110];
	_ =	sdelay $0x4  }
0x102: {  	v10 =	vshll.u32 v10, $0x7  }
0x103: {  	v10 =	vor.u32 v2, v10;
	_ =	sdelay $0x4  }
0x104: {  	[tilespmem:v10+s26+$0x0] =	vst.idx.msk $0xffff, v1  }
0x105: {  	v10 =	vld [tilespmem:$0x120];
	_ =	sdelay $0x4  }
0x106: {  	v10 =	vshll.u32 v10, $0x7  }
0x107: {  	v10 =	vor.u32 v3, v10;
	_ =	sdelay $0x4  }
0x108: {  	[tilespmem:v10+s26+$0x0] =	vst.idx.msk $0xffff, v1  }
0x109: {  	v10 =	vld [tilespmem:$0x130];
	_ =	sdelay $0x4  }
0x10a: {  	v10 =	vshll.u32 v10, $0x7  }
0x10b: {  	v10 =	vor.u32 v4, v10;
	_ =	sdelay $0x4  }
0x10c: {  	[tilespmem:v10+s26+$0x0] =	vst.idx.msk $0xffff, v1  }
0x10d: {  	v10 =	vld [tilespmem:$0x140];
	_ =	sdelay $0x4  }
0x10e: {  	v10 =	vshll.u32 v10, $0x7  }
0x10f: {  	v10 =	vor.u32 v5, v10;
	_ =	sdelay $0x4  }
0x110: {  	[tilespmem:v10+s26+$0x0] =	vst.idx.msk $0xffff, v1  }
0x111: {  	v10 =	vld [tilespmem:$0x150];
	_ =	sdelay $0x4  }
0x112: {  	v10 =	vshll.u32 v10, $0x7  }
0x113: {  	v10 =	vor.u32 v6, v10;
	_ =	sdelay $0x4  }
0x114: {  	[tilespmem:v10+s26+$0x0] =	vst.idx.msk $0xffff, v1  }
0x115: {  	v10 =	vld [tilespmem:$0x160];
	_ =	sdelay $0x4  }
0x116: {  	v10 =	vshll.u32 v10, $0x7  }
0x117: {  	v10 =	vor.u32 v7, v10;
	_ =	sdelay $0x4  }
0x118: {  	[tilespmem:v10+s26+$0x0] =	vst.idx.msk $0xffff, v1  }
0x119: {  	v10 =	vld [tilespmem:$0x170];
	_ =	sdelay $0x4  }
0x11a: {  	v10 =	vshll.u32 v10, $0x7  }
0x11b: {  	v10 =	vor.u32 v8, v10;
	_ =	sdelay $0x4  }
0x11c: {  	[tilespmem:v10+s26+$0x0] =	vst.idx.msk $0xffff, v1  }
0x11d: {  	[hbm4b:s13+s30] =	stream.strided.scatter [tilespmem:s26], [sflag:$0x1], $0x1F400, s31, s30, $0x38;
	[tilespmem:$0x1F780] =	vst v63  }
0x11e: {  	_ =	swait.ge [sflag:s29], $0x1F400  }
0x11f: {  	[sflag:s29] =	ssyncset.done $0x0  }
0x120: {  	[sflag:s29] =	ssyncadd.s32 $0xFFFE0C00  }
0x121: {  	v10 =	vld [tilespmem:$0x100];
	_ =	sdelay $0x4  }
0x122: {  	v10 =	vshll.u32 v10, $0x7  }
0x123: {  	v10 =	vor.u32 v0, v10;
	_ =	sdelay $0x4  }
0x124: {  	[tilespmem:v10+s26+$0x0] =	vst.idx.msk $0xffff, v9  }
0x125: {  	v10 =	vld [tilespmem:$0x110];
	_ =	sdelay $0x4  }
0x126: {  	v10 =	vshll.u32 v10, $0x7  }
0x127: {  	v10 =	vor.u32 v2, v10;
	_ =	sdelay $0x4  }
0x128: {  	[tilespmem:v10+s26+$0x0] =	vst.idx.msk $0xffff, v9  }
0x129: {  	v10 =	vld [tilespmem:$0x120];
	_ =	sdelay $0x4  }
0x12a: {  	v10 =	vshll.u32 v10, $0x7  }
0x12b: {  	v10 =	vor.u32 v3, v10;
	_ =	sdelay $0x4  }
0x12c: {  	[tilespmem:v10+s26+$0x0] =	vst.idx.msk $0xffff, v9  }
0x12d: {  	v10 =	vld [tilespmem:$0x130];
	_ =	sdelay $0x4  }
0x12e: {  	v10 =	vshll.u32 v10, $0x7  }
0x12f: {  	v10 =	vor.u32 v4, v10;
	_ =	sdelay $0x4  }
0x130: {  	[tilespmem:v10+s26+$0x0] =	vst.idx.msk $0xffff, v9  }
0x131: {  	v10 =	vld [tilespmem:$0x140];
	_ =	sdelay $0x4  }
0x132: {  	v10 =	vshll.u32 v10, $0x7  }
0x133: {  	v10 =	vor.u32 v5, v10;
	_ =	sdelay $0x4  }
0x134: {  	[tilespmem:v10+s26+$0x0] =	vst.idx.msk $0xffff, v9  }
0x135: {  	v10 =	vld [tilespmem:$0x150];
	_ =	sdelay $0x4  }
0x136: {  	v10 =	vshll.u32 v10, $0x7  }
0x137: {  	v10 =	vor.u32 v6, v10;
	_ =	sdelay $0x4  }
0x138: {  	[tilespmem:v10+s26+$0x0] =	vst.idx.msk $0xffff, v9  }
0x139: {  	v10 =	vld [tilespmem:$0x160];
	_ =	sdelay $0x4  }
0x13a: {  	v10 =	vshll.u32 v10, $0x7  }
0x13b: {  	v10 =	vor.u32 v7, v10;
	_ =	sdelay $0x4  }
0x13c: {  	[tilespmem:v10+s26+$0x0] =	vst.idx.msk $0xffff, v9  }
0x13d: {  	v10 =	vld [tilespmem:$0x170];
	_ =	sdelay $0x4  }
0x13e: {  	v10 =	vshll.u32 v10, $0x7  }
0x13f: {  	v10 =	vor.u32 v8, v10;
	_ =	sdelay $0x4  }
0x140: {  	[tilespmem:v10+s26+$0x0] =	vst.idx.msk $0xffff, v9  }
0x141: {  	v10 =	vld [tilespmem:$0x180];
	_ =	sdelay $0x4  }
0x142: {  	v10 =	vshll.u32 v10, $0x7  }
0x143: {  	v10 =	vor.u32 v0, v10;
	_ =	sdelay $0x4  }
0x144: {  	[tilespmem:v10+s26+$0x0] =	vst.idx.msk $0xffff, v1  }
0x145: {  	v10 =	vld [tilespmem:$0x190];
	_ =	sdelay $0x4  }
0x146: {  	v10 =	vshll.u32 v10, $0x7  }
0x147: {  	v10 =	vor.u32 v2, v10;
	_ =	sdelay $0x4  }
0x148: {  	[tilespmem:v10+s26+$0x0] =	vst.idx.msk $0xffff, v1  }
0x149: {  	v10 =	vld [tilespmem:$0x1A0];
	_ =	sdelay $0x4  }
0x14a: {  	v10 =	vshll.u32 v10, $0x7  }
0x14b: {  	v10 =	vor.u32 v3, v10;
	_ =	sdelay $0x4  }
0x14c: {  	[tilespmem:v10+s26+$0x0] =	vst.idx.msk $0xffff, v1  }
0x14d: {  	v10 =	vld [tilespmem:$0x1B0];
	_ =	sdelay $0x4  }
0x14e: {  	v10 =	vshll.u32 v10, $0x7  }
0x14f: {  	v10 =	vor.u32 v4, v10;
	_ =	sdelay $0x4  }
0x150: {  	[tilespmem:v10+s26+$0x0] =	vst.idx.msk $0xffff, v1  }
0x151: {  	v10 =	vld [tilespmem:$0x1C0];
	_ =	sdelay $0x4  }
0x152: {  	v10 =	vshll.u32 v10, $0x7  }
0x153: {  	v10 =	vor.u32 v5, v10;
	_ =	sdelay $0x4  }
0x154: {  	[tilespmem:v10+s26+$0x0] =	vst.idx.msk $0xffff, v1  }
0x155: {  	v10 =	vld [tilespmem:$0x1D0];
	_ =	sdelay $0x4  }
0x156: {  	v10 =	vshll.u32 v10, $0x7  }
0x157: {  	v10 =	vor.u32 v6, v10;
	_ =	sdelay $0x4  }
0x158: {  	[tilespmem:v10+s26+$0x0] =	vst.idx.msk $0xffff, v1  }
0x159: {  	v10 =	vld [tilespmem:$0x1E0];
	_ =	sdelay $0x4  }
0x15a: {  	v10 =	vshll.u32 v10, $0x7  }
0x15b: {  	v10 =	vor.u32 v7, v10;
	_ =	sdelay $0x4  }
0x15c: {  	[tilespmem:v10+s26+$0x0] =	vst.idx.msk $0xffff, v1  }
0x15d: {  	v10 =	vld [tilespmem:$0x1F0];
	_ =	sdelay $0x4  }
0x15e: {  	v10 =	vshll.u32 v10, $0x7  }
0x15f: {  	v10 =	vor.u32 v8, v10;
	_ =	sdelay $0x4  }
0x160: {  	[tilespmem:v10+s26+$0x0] =	vst.idx.msk $0xffff, v1  }
0x161: {  	[hbm4b:s14+s30] =	stream.strided.scatter [tilespmem:s26], [sflag:$0x1], $0x1F400, s31, s30, $0x38;
	[tilespmem:$0x1F780] =	vst v63  }
0x162: {  	_ =	swait.ge [sflag:s29], $0x1F400  }
0x163: {  	[sflag:s29] =	ssyncset.done $0x0  }
0x164: {  	[sflag:s29] =	ssyncadd.s32 $0xFFFE0C00  }
0x165: {  	v10 =	vld [tilespmem:$0x180];
	_ =	sdelay $0x4  }
0x166: {  	v10 =	vshll.u32 v10, $0x7  }
0x167: {  	v10 =	vor.u32 v0, v10;
	_ =	sdelay $0x4  }
0x168: {  	[tilespmem:v10+s26+$0x0] =	vst.idx.msk $0xffff, v9  }
0x169: {  	v10 =	vld [tilespmem:$0x190];
	_ =	sdelay $0x4  }
0x16a: {  	v10 =	vshll.u32 v10, $0x7  }
0x16b: {  	v10 =	vor.u32 v2, v10;
	_ =	sdelay $0x4  }
0x16c: {  	[tilespmem:v10+s26+$0x0] =	vst.idx.msk $0xffff, v9  }
0x16d: {  	v10 =	vld [tilespmem:$0x1A0];
	_ =	sdelay $0x4  }
0x16e: {  	v10 =	vshll.u32 v10, $0x7  }
0x16f: {  	v10 =	vor.u32 v3, v10;
	_ =	sdelay $0x4  }
0x170: {  	[tilespmem:v10+s26+$0x0] =	vst.idx.msk $0xffff, v9  }
0x171: {  	v10 =	vld [tilespmem:$0x1B0];
	_ =	sdelay $0x4  }
0x172: {  	v10 =	vshll.u32 v10, $0x7  }
0x173: {  	v10 =	vor.u32 v4, v10;
	_ =	sdelay $0x4  }
0x174: {  	[tilespmem:v10+s26+$0x0] =	vst.idx.msk $0xffff, v9  }
0x175: {  	v10 =	vld [tilespmem:$0x1C0];
	_ =	sdelay $0x4  }
0x176: {  	v10 =	vshll.u32 v10, $0x7  }
0x177: {  	v10 =	vor.u32 v5, v10;
	_ =	sdelay $0x4  }
0x178: {  	[tilespmem:v10+s26+$0x0] =	vst.idx.msk $0xffff, v9  }
0x179: {  	v10 =	vld [tilespmem:$0x1D0];
	_ =	sdelay $0x4  }
0x17a: {  	v10 =	vshll.u32 v10, $0x7  }
0x17b: {  	v10 =	vor.u32 v6, v10;
	_ =	sdelay $0x4  }
0x17c: {  	[tilespmem:v10+s26+$0x0] =	vst.idx.msk $0xffff, v9  }
0x17d: {  	v10 =	vld [tilespmem:$0x1E0];
	_ =	sdelay $0x4  }
0x17e: {  	v10 =	vshll.u32 v10, $0x7  }
0x17f: {  	v10 =	vor.u32 v7, v10;
	_ =	sdelay $0x4  }
0x180: {  	[tilespmem:v10+s26+$0x0] =	vst.idx.msk $0xffff, v9  }
0x181: {  	v10 =	vld [tilespmem:$0x1F0];
	_ =	sdelay $0x4  }
0x182: {  	v10 =	vshll.u32 v10, $0x7  }
0x183: {  	v10 =	vor.u32 v8, v10;
	_ =	sdelay $0x4  }
0x184: {  	[tilespmem:v10+s26+$0x0] =	vst.idx.msk $0xffff, v9  }
0x185: {  	v10 =	vld [tilespmem:$0x200];
	_ =	sdelay $0x4  }
0x186: {  	v10 =	vshll.u32 v10, $0x7  }
0x187: {  	v10 =	vor.u32 v0, v10;
	_ =	sdelay $0x4  }
0x188: {  	[tilespmem:v10+s26+$0x0] =	vst.idx.msk $0xffff, v1  }
0x189: {  	v10 =	vld [tilespmem:$0x210];
	_ =	sdelay $0x4  }
0x18a: {  	v10 =	vshll.u32 v10, $0x7  }
0x18b: {  	v10 =	vor.u32 v2, v10;
	_ =	sdelay $0x4  }
0x18c: {  	[tilespmem:v10+s26+$0x0] =	vst.idx.msk $0xffff, v1  }
0x18d: {  	v10 =	vld [tilespmem:$0x220];
	_ =	sdelay $0x4  }
0x18e: {  	v10 =	vshll.u32 v10, $0x7  }
0x18f: {  	v10 =	vor.u32 v3, v10;
	_ =	sdelay $0x4  }
0x190: {  	[tilespmem:v10+s26+$0x0] =	vst.idx.msk $0xffff, v1  }
0x191: {  	v10 =	vld [tilespmem:$0x230];
	_ =	sdelay $0x4  }
0x192: {  	v10 =	vshll.u32 v10, $0x7  }
0x193: {  	v10 =	vor.u32 v4, v10;
	_ =	sdelay $0x4  }
0x194: {  	[tilespmem:v10+s26+$0x0] =	vst.idx.msk $0xffff, v1  }
0x195: {  	v10 =	vld [tilespmem:$0x240];
	_ =	sdelay $0x4  }
0x196: {  	v10 =	vshll.u32 v10, $0x7  }
0x197: {  	v10 =	vor.u32 v5, v10;
	_ =	sdelay $0x4  }
0x198: {  	[tilespmem:v10+s26+$0x0] =	vst.idx.msk $0xffff, v1  }
0x199: {  	v10 =	vld [tilespmem:$0x250];
	_ =	sdelay $0x4  }
0x19a: {  	v10 =	vshll.u32 v10, $0x7  }
0x19b: {  	v10 =	vor.u32 v6, v10;
	_ =	sdelay $0x4  }
0x19c: {  	[tilespmem:v10+s26+$0x0] =	vst.idx.msk $0xffff, v1  }
0x19d: {  	v10 =	vld [tilespmem:$0x260];
	_ =	sdelay $0x4  }
0x19e: {  	v10 =	vshll.u32 v10, $0x7  }
0x19f: {  	v10 =	vor.u32 v7, v10;
	_ =	sdelay $0x4  }
0x1a0: {  	[tilespmem:v10+s26+$0x0] =	vst.idx.msk $0xffff, v1  }
0x1a1: {  	v10 =	vld [tilespmem:$0x270];
	_ =	sdelay $0x4  }
0x1a2: {  	v10 =	vshll.u32 v10, $0x7  }
0x1a3: {  	v10 =	vor.u32 v8, v10;
	_ =	sdelay $0x4  }
0x1a4: {  	[tilespmem:v10+s26+$0x0] =	vst.idx.msk $0xffff, v1  }
0x1a5: {  	[hbm4b:s15+s30] =	stream.strided.scatter [tilespmem:s26], [sflag:$0x1], $0x1F400, s31, s30, $0x38;
	[tilespmem:$0x1F780] =	vst v63  }
0x1a6: {  	_ =	swait.ge [sflag:s29], $0x1F400  }
0x1a7: {  	[sflag:s29] =	ssyncset.done $0x0  }
0x1a8: {  	[sflag:s29] =	ssyncadd.s32 $0xFFFE0C00  }
0x1a9: {  	v10 =	vld [tilespmem:$0x200];
	_ =	sdelay $0x4  }
0x1aa: {  	v10 =	vshll.u32 v10, $0x7  }
0x1ab: {  	v10 =	vor.u32 v0, v10;
	_ =	sdelay $0x4  }
0x1ac: {  	[tilespmem:v10+s26+$0x0] =	vst.idx.msk $0xffff, v9  }
0x1ad: {  	v10 =	vld [tilespmem:$0x210];
	_ =	sdelay $0x4  }
0x1ae: {  	v10 =	vshll.u32 v10, $0x7  }
0x1af: {  	v10 =	vor.u32 v2, v10;
	_ =	sdelay $0x4  }
0x1b0: {  	[tilespmem:v10+s26+$0x0] =	vst.idx.msk $0xffff, v9  }
0x1b1: {  	v10 =	vld [tilespmem:$0x220];
	_ =	sdelay $0x4  }
0x1b2: {  	v10 =	vshll.u32 v10, $0x7  }
0x1b3: {  	v10 =	vor.u32 v3, v10;
	_ =	sdelay $0x4  }
0x1b4: {  	[tilespmem:v10+s26+$0x0] =	vst.idx.msk $0xffff, v9  }
0x1b5: {  	v10 =	vld [tilespmem:$0x230];
	_ =	sdelay $0x4  }
0x1b6: {  	v10 =	vshll.u32 v10, $0x7  }
0x1b7: {  	v10 =	vor.u32 v4, v10;
	_ =	sdelay $0x4  }
0x1b8: {  	[tilespmem:v10+s26+$0x0] =	vst.idx.msk $0xffff, v9  }
0x1b9: {  	v10 =	vld [tilespmem:$0x240];
	_ =	sdelay $0x4  }
0x1ba: {  	v10 =	vshll.u32 v10, $0x7  }
0x1bb: {  	v10 =	vor.u32 v5, v10;
	_ =	sdelay $0x4  }
0x1bc: {  	[tilespmem:v10+s26+$0x0] =	vst.idx.msk $0xffff, v9  }
0x1bd: {  	v10 =	vld [tilespmem:$0x250];
	_ =	sdelay $0x4  }
0x1be: {  	v10 =	vshll.u32 v10, $0x7  }
0x1bf: {  	v10 =	vor.u32 v6, v10;
	_ =	sdelay $0x4  }
0x1c0: {  	[tilespmem:v10+s26+$0x0] =	vst.idx.msk $0xffff, v9  }
0x1c1: {  	v10 =	vld [tilespmem:$0x260];
	_ =	sdelay $0x4  }
0x1c2: {  	v10 =	vshll.u32 v10, $0x7  }
0x1c3: {  	v10 =	vor.u32 v7, v10;
	_ =	sdelay $0x4  }
0x1c4: {  	[tilespmem:v10+s26+$0x0] =	vst.idx.msk $0xffff, v9  }
0x1c5: {  	v10 =	vld [tilespmem:$0x270];
	_ =	sdelay $0x4  }
0x1c6: {  	v10 =	vshll.u32 v10, $0x7  }
0x1c7: {  	v10 =	vor.u32 v8, v10;
	_ =	sdelay $0x4  }
0x1c8: {  	[tilespmem:v10+s26+$0x0] =	vst.idx.msk $0xffff, v9  }
0x1c9: {  	v10 =	vld [tilespmem:$0x280];
	_ =	sdelay $0x4  }
0x1ca: {  	v10 =	vshll.u32 v10, $0x7  }
0x1cb: {  	v10 =	vor.u32 v0, v10;
	_ =	sdelay $0x4  }
0x1cc: {  	[tilespmem:v10+s26+$0x0] =	vst.idx.msk $0xffff, v1  }
0x1cd: {  	v10 =	vld [tilespmem:$0x290];
	_ =	sdelay $0x4  }
0x1ce: {  	v10 =	vshll.u32 v10, $0x7  }
0x1cf: {  	v10 =	vor.u32 v2, v10;
	_ =	sdelay $0x4  }
0x1d0: {  	[tilespmem:v10+s26+$0x0] =	vst.idx.msk $0xffff, v1  }
0x1d1: {  	v10 =	vld [tilespmem:$0x2A0];
	_ =	sdelay $0x4  }
0x1d2: {  	v10 =	vshll.u32 v10, $0x7  }
0x1d3: {  	v10 =	vor.u32 v3, v10;
	_ =	sdelay $0x4  }
0x1d4: {  	[tilespmem:v10+s26+$0x0] =	vst.idx.msk $0xffff, v1  }
0x1d5: {  	v10 =	vld [tilespmem:$0x2B0];
	_ =	sdelay $0x4  }
0x1d6: {  	v10 =	vshll.u32 v10, $0x7  }
0x1d7: {  	v10 =	vor.u32 v4, v10;
	_ =	sdelay $0x4  }
0x1d8: {  	[tilespmem:v10+s26+$0x0] =	vst.idx.msk $0xffff, v1  }
0x1d9: {  	v10 =	vld [tilespmem:$0x2C0];
	_ =	sdelay $0x4  }
0x1da: {  	v10 =	vshll.u32 v10, $0x7  }
0x1db: {  	v10 =	vor.u32 v5, v10;
	_ =	sdelay $0x4  }
0x1dc: {  	[tilespmem:v10+s26+$0x0] =	vst.idx.msk $0xffff, v1  }
0x1dd: {  	v10 =	vld [tilespmem:$0x2D0];
	_ =	sdelay $0x4  }
0x1de: {  	v10 =	vshll.u32 v10, $0x7  }
0x1df: {  	v10 =	vor.u32 v6, v10;
	_ =	sdelay $0x4  }
0x1e0: {  	[tilespmem:v10+s26+$0x0] =	vst.idx.msk $0xffff, v1  }
0x1e1: {  	v10 =	vld [tilespmem:$0x2E0];
	_ =	sdelay $0x4  }
0x1e2: {  	v10 =	vshll.u32 v10, $0x7  }
0x1e3: {  	v10 =	vor.u32 v7, v10;
	_ =	sdelay $0x4  }
0x1e4: {  	[tilespmem:v10+s26+$0x0] =	vst.idx.msk $0xffff, v1  }
0x1e5: {  	v10 =	vld [tilespmem:$0x2F0];
	_ =	sdelay $0x4  }
0x1e6: {  	v10 =	vshll.u32 v10, $0x7  }
0x1e7: {  	v10 =	vor.u32 v8, v10;
	_ =	sdelay $0x4  }
0x1e8: {  	[tilespmem:v10+s26+$0x0] =	vst.idx.msk $0xffff, v1  }
0x1e9: {  	[hbm4b:s16+s30] =	stream.strided.scatter [tilespmem:s26], [sflag:$0x1], $0x1F400, s31, s30, $0x38;
	[tilespmem:$0x1F780] =	vst v63  }
0x1ea: {  	_ =	swait.ge [sflag:s29], $0x1F400  }
0x1eb: {  	[sflag:s29] =	ssyncset.done $0x0  }
0x1ec: {  	[sflag:s29] =	ssyncadd.s32 $0xFFFE0C00  }
0x1ed: {  	v10 =	vld [tilespmem:$0x280];
	_ =	sdelay $0x4  }
0x1ee: {  	v10 =	vshll.u32 v10, $0x7  }
0x1ef: {  	v10 =	vor.u32 v0, v10;
	_ =	sdelay $0x4  }
0x1f0: {  	[tilespmem:v10+s26+$0x0] =	vst.idx.msk $0xffff, v9  }
0x1f1: {  	v10 =	vld [tilespmem:$0x290];
	_ =	sdelay $0x4  }
0x1f2: {  	v10 =	vshll.u32 v10, $0x7  }
0x1f3: {  	v10 =	vor.u32 v2, v10;
	_ =	sdelay $0x4  }
0x1f4: {  	[tilespmem:v10+s26+$0x0] =	vst.idx.msk $0xffff, v9  }
0x1f5: {  	v10 =	vld [tilespmem:$0x2A0];
	_ =	sdelay $0x4  }
0x1f6: {  	v10 =	vshll.u32 v10, $0x7  }
0x1f7: {  	v10 =	vor.u32 v3, v10;
	_ =	sdelay $0x4  }
0x1f8: {  	[tilespmem:v10+s26+$0x0] =	vst.idx.msk $0xffff, v9  }
0x1f9: {  	v10 =	vld [tilespmem:$0x2B0];
	_ =	sdelay $0x4  }
0x1fa: {  	v10 =	vshll.u32 v10, $0x7  }
0x1fb: {  	v10 =	vor.u32 v4, v10;
	_ =	sdelay $0x4  }
0x1fc: {  	[tilespmem:v10+s26+$0x0] =	vst.idx.msk $0xffff, v9  }
0x1fd: {  	v10 =	vld [tilespmem:$0x2C0];
	_ =	sdelay $0x4  }
0x1fe: {  	v10 =	vshll.u32 v10, $0x7  }
0x1ff: {  	v10 =	vor.u32 v5, v10;
	_ =	sdelay $0x4  }
0x200: {  	[tilespmem:v10+s26+$0x0] =	vst.idx.msk $0xffff, v9  }
0x201: {  	v10 =	vld [tilespmem:$0x2D0];
	_ =	sdelay $0x4  }
0x202: {  	v10 =	vshll.u32 v10, $0x7  }
0x203: {  	v10 =	vor.u32 v6, v10;
	_ =	sdelay $0x4  }
0x204: {  	[tilespmem:v10+s26+$0x0] =	vst.idx.msk $0xffff, v9  }
0x205: {  	v10 =	vld [tilespmem:$0x2E0];
	_ =	sdelay $0x4  }
0x206: {  	v10 =	vshll.u32 v10, $0x7  }
0x207: {  	v10 =	vor.u32 v7, v10;
	_ =	sdelay $0x4  }
0x208: {  	[tilespmem:v10+s26+$0x0] =	vst.idx.msk $0xffff, v9  }
0x209: {  	v10 =	vld [tilespmem:$0x2F0];
	_ =	sdelay $0x4  }
0x20a: {  	v10 =	vshll.u32 v10, $0x7  }
0x20b: {  	v10 =	vor.u32 v8, v10;
	_ =	sdelay $0x4  }
0x20c: {  	[tilespmem:v10+s26+$0x0] =	vst.idx.msk $0xffff, v9  }
0x20d: {  	v11 =	vld [tilespmem:$0x300];
	_ =	sdelay $0x1  }
.Ltmp2:
0x20e: {  	_ = 	snop;
	(pc) =	sbr.rel @p0 .LBB2_3-.Ltmp2, $3  }
0x20f: {  	_ =	sdelay $0x1  }
0x210: {  	v10 =	vshll.u32 v11, $0x7  }
0x211: {  	v10 =	vor.u32 v0, v10  }
0x212: {  	vm0 =	vlt.u32 v11, $0x1F0;
	_ =	sdelay $0x5  }
0x213: {  	[tilespmem:v10+s26+$0x0] =	vst.idx.msk vm0, v1  }
0x214: {  	v10 =	vld [tilespmem:$0x310];
	_ =	sdelay $0x4  }
0x215: {  	vm9 =	vlt.u32 v10, $0x1F0;
	v10 =	vshll.u32 v10, $0x7  }
0x216: {  	v10 =	vor.u32 v2, v10;
	_ =	sdelay $0x4  }
0x217: {  	[tilespmem:v10+s26+$0x0] =	vst.idx.msk vm9, v1  }
0x218: {  	v10 =	vld [tilespmem:$0x320];
	_ =	sdelay $0x4  }
0x219: {  	vm10 =	vlt.u32 v10, $0x1F0;
	v10 =	vshll.u32 v10, $0x7  }
0x21a: {  	v10 =	vor.u32 v3, v10;
	_ =	sdelay $0x4  }
0x21b: {  	[tilespmem:v10+s26+$0x0] =	vst.idx.msk vm10, v1  }
0x21c: {  	v10 =	vld [tilespmem:$0x330];
	_ =	sdelay $0x4  }
0x21d: {  	vm11 =	vlt.u32 v10, $0x1F0;
	v10 =	vshll.u32 v10, $0x7  }
0x21e: {  	v10 =	vor.u32 v4, v10;
	_ =	sdelay $0x4  }
0x21f: {  	[tilespmem:v10+s26+$0x0] =	vst.idx.msk vm11, v1  }
0x220: {  	v10 =	vld [tilespmem:$0x340];
	_ =	sdelay $0x4  }
0x221: {  	vm12 =	vlt.u32 v10, $0x1F0;
	v10 =	vshll.u32 v10, $0x7  }
0x222: {  	v10 =	vor.u32 v5, v10;
	_ =	sdelay $0x4  }
0x223: {  	[tilespmem:v10+s26+$0x0] =	vst.idx.msk vm12, v1  }
0x224: {  	v10 =	vld [tilespmem:$0x350];
	_ =	sdelay $0x4  }
0x225: {  	vm13 =	vlt.u32 v10, $0x1F0;
	v10 =	vshll.u32 v10, $0x7  }
0x226: {  	v10 =	vor.u32 v6, v10;
	_ =	sdelay $0x4  }
0x227: {  	[tilespmem:v10+s26+$0x0] =	vst.idx.msk vm13, v1  }
0x228: {  	v10 =	vld [tilespmem:$0x360];
	_ =	sdelay $0x4  }
0x229: {  	vm14 =	vlt.u32 v10, $0x1F0;
	v10 =	vshll.u32 v10, $0x7  }
0x22a: {  	v10 =	vor.u32 v7, v10;
	_ =	sdelay $0x4  }
0x22b: {  	[tilespmem:v10+s26+$0x0] =	vst.idx.msk vm14, v1  }
0x22c: {  	v10 =	vld [tilespmem:$0x370];
	_ =	sdelay $0x4  }
0x22d: {  	vm15 =	vlt.u32 v10, $0x1F0;
	v10 =	vshll.u32 v10, $0x7  }
0x22e: {  	v10 =	vor.u32 v8, v10;
	_ =	sdelay $0x4  }
.Ltmp3:
0x22f: {  	[tilespmem:v10+s26+$0x0] =	vst.idx.msk vm15, v1;
	(pc) =	sbr.rel .LBB2_4-.Ltmp3, $4  }
0x230: {  	[hbm4b:s18+s30] =	stream.strided.scatter [tilespmem:s26], [sflag:$0x1], $0xF800, s31, s30, $0x38;
	[tilespmem:$0x1F780] =	vst v63  }
0x231: {  	_ =	swait.ge [sflag:s29], $0xF800  }
0x232: {  	[sflag:s29] =	ssyncset.done $0x0  }
0x233: {  	[sflag:s29] =	ssyncadd.s32 $0xFFFF0800  }
.LBB2_5:
0x234: {  	_ =	sfence.sel $0x180000  }
0x235: {  	[bflag:$0x0] =	sbarrier.arrive $0xFFFF  }
0x236: {  	_ =	strace $0x90000047  }
0x237: {  	[bflag:$0x2] =	sbarrier.arrive $0xFFFF  }
0x238: {  	p0 =	sne.s32 s2, $0x0;
	s0 =	rddreg [dreg:$0x2]  }
0x239: {  	s0 =	sadd.s32 @!p0 $0x100000, s0  }
0x23a: {  	[sflag:s0] =	ssyncadd.tile.s32 @!p0 $0x1;
	_ =	shalt  }
.Lfunc_end2:
_tile_overlayer_lowered:
.L_overlay_start_2:
0x23b: {  	(tag) =	ssettag $0x2  }
0x23c: {  	s0 =	rddreg [dreg:$0x0];
	s2 =	stileid.u32  }
0x23d: {  	s1 =	rddreg [dreg:$0x1];
	p0 =	sne.s32 s2, $0x0  }
0x23e: {  	s3 =	rddreg [dreg:$0x2];
	[bflag:$0x3] =	sbarrier.arrive $0xFFFF;
	s2 =	simm.s32 @!p0 $0x1C03  }
0x23f: {  	[timem:s3], [sflag:s2] =	dma.local @!p0 [hbm:s0], s1  }
0x240: {  	s0 =	simm.s32 @!p0 $0x3  }
0x241: {  	_ =	swait.ge @!p0 [sflag:s0], s1  }
0x242: {  	s1 =	ssub.s32 @!p0 $0x0, s1;
	[sflag:s0] =	ssyncset.done @!p0 $0x0  }
0x243: {  	[sflag:s0] =	ssyncadd.s32 @!p0 s1  }
0x244: {  	[bflag:$0x3] =	sbarrier.arrive $0xFFFF  }
0x245: {  	_ =	shalt  }

</sc_bundles>
